<compile_context>
chip_gen: v7x
topology: tpu7x:2x2x1
jax: 0.10.2.dev20260603
libtpu: 0.0.44.dev20260713+nightly
codegen_flags: <defaults>
</compile_context>

<pallas_src>
import functools

import jax
import jax.numpy as jnp
from jax import lax
from jax.experimental import pallas as pl
from jax.experimental.pallas import tpu as pltpu
from jax.experimental.pallas import tpu_sc as plsc

_CHUNK = 128
_NW = 32


@functools.lru_cache(maxsize=None)
def _make_sc_segsum(N, E, D):
    nchunk = E // _CHUNK
    ntrip = nchunk // (3 * _NW)
    nfull = 3 * ntrip
    epw = nfull * _CHUNK
    nleft = nchunk - _NW * nfull
    left_base = _NW * epw
    assert E == _NW * epw + nleft * _CHUNK and nleft <= _NW
    npiece = -(-N // _CHUNK)
    lastp = N - (npiece - 1) * _CHUNK
    piece_per_tile = -(-npiece // 16)
    mesh = plsc.VectorSubcoreMesh(core_axis_name="c", subcore_axis_name="s")

    @functools.partial(
        pl.kernel,
        mesh=mesh,
        out_type=jax.ShapeDtypeStruct((2, N, D), jnp.float32),
        scratch_types=[
            pltpu.VMEM((_CHUNK, D), jnp.float32),
            pltpu.VMEM((_CHUNK, D), jnp.float32),
            pltpu.VMEM((_CHUNK, D), jnp.float32),
            pltpu.VMEM((128,), jnp.int32),
            pltpu.VMEM((128,), jnp.int32),
            pltpu.VMEM((128,), jnp.int32),
            pltpu.VMEM_SHARED((N, D), jnp.float32),
            pltpu.SemaphoreType.DMA,
            pltpu.SemaphoreType.DMA,
            pltpu.SemaphoreType.DMA,
            pltpu.SemaphoreType.DMA,
            pltpu.SemaphoreType.DMA,
            pltpu.SemaphoreType.DMA,
        ],
    )
    def seg(src_hbm, ea_hbm, z_hbm, out_hbm,
            buf0, buf1, buf2, idx0, idx1, idx2, acc_sh,
            gs0, gs1, gs2, ss0, ss1, ss2):
        bufs = (buf0, buf1, buf2)
        idxs = (idx0, idx1, idx2)
        gsems = (gs0, gs1, gs2)
        ssems = (ss0, ss1, ss2)
        c = lax.axis_index("c")
        s = lax.axis_index("s")
        wid = s * 2 + c
        base_e = wid * epw

        def prologue_gather():
            pltpu.async_copy(
                ea_hbm.at[pl.ds(base_e, _CHUNK)], buf0, gs0)
            pltpu.async_copy(
                src_hbm.at[0, pl.ds(base_e, 128)], idx0, gs0)

        prologue_gather()
        pltpu.sync_copy(z_hbm, buf2)
        for i in range(piece_per_tile):
            pid = i * 16 + s

            @pl.when(pid < npiece - 1)
            def _():
                pltpu.sync_copy(buf2,
                                acc_sh.at[pl.ds(pid * _CHUNK, _CHUNK)])

            @pl.when(pid == npiece - 1)
            def _():
                pltpu.sync_copy(buf2.at[pl.ds(0, lastp)],
                                acc_sh.at[pl.ds(pid * _CHUNK, lastp)])

        plsc.subcore_barrier()

        def g_desc(chunk, b):
            rows = pltpu.make_async_copy(
                ea_hbm.at[pl.ds(base_e + chunk * _CHUNK, _CHUNK)],
                bufs[b], gsems[b])
            idx = pltpu.make_async_copy(
                src_hbm.at[0, pl.ds(base_e + chunk * _CHUNK, 128)],
                idxs[b], gsems[b])
            return rows, idx

        def gather(chunk, b):
            for d in g_desc(chunk, b):
                d.start()

        def wait_gather(chunk, b):
            for d in g_desc(chunk, b):
                d.wait()

        def s_desc(b):
            return pltpu.make_async_copy(bufs[b], acc_sh.at[idxs[b]],
                                         ssems[b])

        def step(ch, b):
            nb = (b + 1) % 3

            @pl.when(ch >= 2)
            def _():
                s_desc(nb).wait()

            @pl.when(ch + 1 < nfull)
            def _():
                gather(ch + 1, nb)

            wait_gather(ch, b)
            pltpu.async_copy(bufs[b], acc_sh.at[idxs[b]], ssems[b], add=True)

        def body(g, carry):
            c0 = 3 * g
            step(c0, 0)
            step(c0 + 1, 1)
            step(c0 + 2, 2)
            return carry

        lax.fori_loop(0, ntrip, body, 0)
        s_desc((nfull - 2) % 3).wait()
        s_desc((nfull - 1) % 3).wait()
        if nleft:
            @pl.when(wid < nleft)
            def _():
                off = left_base + wid * _CHUNK
                pltpu.sync_copy(ea_hbm.at[pl.ds(off, _CHUNK)], buf0)
                pltpu.sync_copy(src_hbm.at[0, pl.ds(off, 128)], idx0)
                pltpu.sync_copy(buf0, acc_sh.at[idx0], add=True)

        plsc.subcore_barrier()

        def w_descs(i):
            pid = i * 16 + s
            b = i % 3
            full = pltpu.make_async_copy(
                bufs[b], out_hbm.at[c, pl.ds(pid * _CHUNK, _CHUNK)],
                ssems[b])
            last = pltpu.make_async_copy(
                bufs[b].at[pl.ds(0, lastp)],
                out_hbm.at[c, pl.ds(pid * _CHUNK, lastp)], ssems[b])
            return pid, b, full, last

        def w_issue(i):
            pid, b, full, last = w_descs(i)

            @pl.when(pid < npiece - 1)
            def _():
                pltpu.sync_copy(acc_sh.at[pl.ds(pid * _CHUNK, _CHUNK)],
                                bufs[b])
                full.start()

            @pl.when(pid == npiece - 1)
            def _():
                pltpu.sync_copy(acc_sh.at[pl.ds(pid * _CHUNK, lastp)],
                                bufs[b].at[pl.ds(0, lastp)])
                last.start()

        def w_wait(i):
            pid, b, full, last = w_descs(i)

            @pl.when(pid < npiece - 1)
            def _():
                full.wait()

            @pl.when(pid == npiece - 1)
            def _():
                last.wait()

        for i in range(piece_per_tile):
            if i >= 3:
                w_wait(i - 3)
            w_issue(i)
        for i in range(max(0, piece_per_tile - 3), piece_per_tile):
            w_wait(i)

    return seg


def _silu(t):
    return t * jax.nn.sigmoid(t)


def _xw_body(x_ref, w1a, b1r, o_ref):
    o_ref[...] = jnp.dot(x_ref[...], w1a[...].T,
                         preferred_element_type=jnp.float32,
                         precision=lax.Precision.DEFAULT) + b1r[...]


def _mlp_body(xw_ref, p_ref, w1b, g1r, bt1r, w2, b2r, g2r, bt2r,
              w3, b3r, o_ref):
    hp = jnp.float32
    agg = p_ref[0] + p_ref[1]
    t = xw_ref[...] + jnp.dot(agg, w1b[...].T, preferred_element_type=hp,
                              precision=lax.Precision.DEFAULT)
    t = _silu(t)
    mu = jnp.mean(t, axis=0, keepdims=True)
    d = t - mu
    var = jnp.mean(d * d, axis=0, keepdims=True)
    t = d * lax.rsqrt(var + 1e-5) * g1r[...] + bt1r[...]
    t = jnp.dot(t, w2[...].T, preferred_element_type=hp,
                precision=lax.Precision.DEFAULT)
    t = _silu(t + b2r[...])
    mu = jnp.mean(t, axis=0, keepdims=True)
    d = t - mu
    var = jnp.mean(d * d, axis=0, keepdims=True)
    t = d * lax.rsqrt(var + 1e-5) * g2r[...] + bt2r[...]
    o_ref[...] = jnp.dot(t, w3[...].T, preferred_element_type=hp,
                         precision=lax.Precision.DEFAULT) + b3r[...]


def kernel(x, edge_index, edge_attr, W1, b1, g1, bt1, W2, b2, g2, bt2, W3, b3):
    N, D = x.shape
    E = edge_attr.shape[0]
    z = jnp.zeros((_CHUNK, D), jnp.float32)
    parts = _make_sc_segsum(N, E, D)(edge_index, edge_attr, z)
    xw = pl.pallas_call(
        _xw_body,
        out_shape=jax.ShapeDtypeStruct((N, D), jnp.float32),
    )(x, W1[:, :D], b1[None])
    out = pl.pallas_call(
        _mlp_body,
        out_shape=jax.ShapeDtypeStruct((N, D), jnp.float32),
    )(xw, parts, W1[:, D:], g1[None], bt1[None],
      W2, b2[None], g2[None], bt2[None], W3, b3[None])
    return out

# --- scband reference (transcript-rebuilt; emitter-appended) ---
"""Pipeline reference for scband-node-model-13108240188139 (READ-ONLY COPY).

The authoritative reference and input builder live on the scoring server;
editing this copy changes nothing except your own understanding.
"""

import jax, jax.numpy as jnp
import numpy as np

N = 10000
E = 320000
D = 128


def setup_inputs(seed: int = 0) -> dict:
    key = jax.random.key(seed)
    ks = jax.random.split(key, 16)
    x = jax.random.normal(ks[0], (N, D), dtype=jnp.float32)
    edge_index = jax.random.randint(ks[1], (2, E), 0, N, dtype=jnp.int32)
    edge_attr = jax.random.normal(ks[2], (E, D), dtype=jnp.float32)
    # MLP params: layer_vec = [2*D, D, D, D] (n_hidden=2)
    W1 = jax.random.normal(ks[3], (D, 2 * D), dtype=jnp.float32) * (1.0 / np.sqrt(2 * D))
    b1 = jnp.zeros((D,), dtype=jnp.float32)
    g1 = jnp.ones((D,), dtype=jnp.float32)
    bt1 = jnp.zeros((D,), dtype=jnp.float32)
    W2 = jax.random.normal(ks[4], (D, D), dtype=jnp.float32) * (1.0 / np.sqrt(D))
    b2 = jnp.zeros((D,), dtype=jnp.float32)
    g2 = jnp.ones((D,), dtype=jnp.float32)
    bt2 = jnp.zeros((D,), dtype=jnp.float32)
    W3 = jax.random.normal(ks[5], (D, D), dtype=jnp.float32) * (1.0 / np.sqrt(D))
    b3 = jnp.zeros((D,), dtype=jnp.float32)
    return {"x": x, "edge_index": edge_index, "edge_attr": edge_attr,
            "W1": W1, "b1": b1, "g1": g1, "bt1": bt1,
            "W2": W2, "b2": b2, "g2": g2, "bt2": bt2,
            "W3": W3, "b3": b3}


def _silu(h):
    return h * jax.nn.sigmoid(h)


def _bn(h, g, bt):
    mu = jnp.mean(h, axis=0)
    var = jnp.var(h, axis=0)
    return (h - mu) / jnp.sqrt(var + 1e-5) * g + bt


def _mlp(h, W1, b1, g1, bt1, W2, b2, g2, bt2, W3, b3):
    h = h @ W1.T + b1
    h = _silu(h)
    h = _bn(h, g1, bt1)
    h = h @ W2.T + b2
    h = _silu(h)
    h = _bn(h, g2, bt2)
    h = h @ W3.T + b3
    return h


def reference(x, edge_index, edge_attr, W1, b1, g1, bt1, W2, b2, g2, bt2, W3, b3):
    src = edge_index[0]
    agg = jax.ops.segment_sum(edge_attr, src, num_segments=x.shape[0])
    h = jnp.concatenate([x, agg], axis=1)
    return _mlp(h, W1, b1, g1, bt1, W2, b2, g2, bt2, W3, b3)

if __name__ == "__main__":
    import jax
    _d = setup_inputs()
    print(jax.jit(kernel)(*tuple(_d.values())))

</pallas_src>

<mosaic_0001>
#map = affine_map<(d0, d1) -> (0, 0)>
#map1 = affine_map<(d0, d1) -> (0, 0, 0)>
module attributes {stable_mosaic.version = 14 : i64} {
  func.func @seg(%arg0: i32, %arg1: i32, %arg2: memref<2x320000xi32, #tpu.memory_space<hbm>>, %arg3: memref<320000x128xf32, #tpu.memory_space<hbm>>, %arg4: memref<128x128xf32, #tpu.memory_space<hbm>>, %arg5: memref<2x10000x128xf32, #tpu.memory_space<hbm>>, %arg6: memref<128x128xf32, #tpu.memory_space<vmem>>, %arg7: memref<128x128xf32, #tpu.memory_space<vmem>>, %arg8: memref<128x128xf32, #tpu.memory_space<vmem>>, %arg9: memref<128xi32, #tpu.memory_space<vmem>>, %arg10: memref<128xi32, #tpu.memory_space<vmem>>, %arg11: memref<128xi32, #tpu.memory_space<vmem>>, %arg12: memref<10000x128xf32, #tpu.memory_space<vmem_shared>>, %arg13: memref<!tpu.dma_semaphore, #tpu.memory_space<semaphore_mem>>, %arg14: memref<!tpu.dma_semaphore, #tpu.memory_space<semaphore_mem>>, %arg15: memref<!tpu.dma_semaphore, #tpu.memory_space<semaphore_mem>>, %arg16: memref<!tpu.dma_semaphore, #tpu.memory_space<semaphore_mem>>, %arg17: memref<!tpu.dma_semaphore, #tpu.memory_space<semaphore_mem>>, %arg18: memref<!tpu.dma_semaphore, #tpu.memory_space<semaphore_mem>>) attributes {dimension_semantics = [#tpu.dimension_semantics<core_parallel>, #tpu.dimension_semantics<subcore_parallel>], iteration_bounds = array<i64: 2, 16>, scalar_prefetch = 0 : i64, scratch_operands = 13 : i64, tpu.core_type = #tpu.core_type<sc_vector_subcore>, window_params = [{transform_indices = #map}, {transform_indices = #map}, {transform_indices = #map}, {transform_indices = #map1}]} {
    %mul3A = arith.constant 2 : i32
    %mul3A_0 = arith.muli %arg1, %mul3A : i32
    %add3A = arith.addi %mul3A_0, %arg0 : i32
    %mul3A_1 = arith.constant 9984 : i32
    %mul3A_2 = arith.muli %add3A, %mul3A_1 : i32
    %dma_start3A = arith.constant 0 : i32
    %dma_start3A_3 = tpu.memref_slice %arg3[%mul3A_2, %dma_start3A] : memref<320000x128xf32, #tpu.memory_space<hbm>> -> memref<128x128xf32, #tpu.memory_space<hbm>>
    %dma_start3A_4 = arith.constant 0 : i32
    %dma_start3A_5 = tpu.memref_slice %arg3[%mul3A_2, %dma_start3A_4] : memref<320000x128xf32, #tpu.memory_space<hbm>> -> memref<128x128xf32, #tpu.memory_space<hbm>>
    tpu.enqueue_dma source(%dma_start3A_5 : memref<128x128xf32, #tpu.memory_space<hbm>>) target(%arg6 : memref<128x128xf32, #tpu.memory_space<vmem>>) target_semaphore(%arg13 : memref<!tpu.dma_semaphore, #tpu.memory_space<semaphore_mem>>)
    %dma_start3A_6 = arith.constant 0 : i32
    %dma_start3A_7 = tpu.memref_slice %arg2[%dma_start3A_6, %mul3A_2] : memref<2x320000xi32, #tpu.memory_space<hbm>> -> memref<1x128xi32, #tpu.memory_space<hbm>>
    %dma_start3A_8 = tpu.memref_squeeze %dma_start3A_7 : memref<1x128xi32, #tpu.memory_space<hbm>> -> memref<128xi32, #tpu.memory_space<hbm>>
    %dma_start3A_9 = tpu.memref_slice %arg2[%dma_start3A_6, %mul3A_2] : memref<2x320000xi32, #tpu.memory_space<hbm>> -> memref<1x128xi32, #tpu.memory_space<hbm>>
    %dma_start3A_10 = tpu.memref_squeeze %dma_start3A_9 : memref<1x128xi32, #tpu.memory_space<hbm>> -> memref<128xi32, #tpu.memory_space<hbm>>
    tpu.enqueue_dma source(%dma_start3A_10 : memref<128xi32, #tpu.memory_space<hbm>>) target(%arg9 : memref<128xi32, #tpu.memory_space<vmem>>) target_semaphore(%arg13 : memref<!tpu.dma_semaphore, #tpu.memory_space<semaphore_mem>>)
    "tpu.region"() ({
      %run_scoped3A = tpu.sem_alloc : memref<!tpu.dma_semaphore, #tpu.memory_space<semaphore_mem>>
      tpu.enqueue_dma source(%arg4 : memref<128x128xf32, #tpu.memory_space<hbm>>) target(%arg8 : memref<128x128xf32, #tpu.memory_space<vmem>>) target_semaphore(%run_scoped3A : memref<!tpu.dma_semaphore, #tpu.memory_space<semaphore_mem>>)
      tpu.wait_dma2 semaphore(%run_scoped3A : memref<!tpu.dma_semaphore, #tpu.memory_space<semaphore_mem>>) src(%arg4 : memref<128x128xf32, #tpu.memory_space<hbm>>) dst(%arg8 : memref<128x128xf32, #tpu.memory_space<vmem>>)
      tpu.yield
    }) : () -> ()
    %add3A_11 = arith.constant 0 : i32
    %add3A_12 = arith.addi %add3A_11, %arg1 : i32
    %lt3A = arith.constant 78 : i32
    %lt3A_13 = arith.cmpi slt, %add3A_12, %lt3A : i32
    %convert_element_type3A = arith.extui %lt3A_13 : i1 to i32
    %cond3A = arith.constant 0 : i32
    %cond3A_14 = arith.cmpi ne, %convert_element_type3A, %cond3A : i32
    scf.if %cond3A_14 {
      %mul3A_243 = arith.constant 128 : i32
      %mul3A_244 = arith.muli %add3A_12, %mul3A_243 : i32
      "tpu.region"() ({
        %run_scoped3A = tpu.sem_alloc : memref<!tpu.dma_semaphore, #tpu.memory_space<semaphore_mem>>
        %dma_start3A_245 = arith.constant 0 : i32
        %dma_start3A_246 = tpu.memref_slice %arg12[%mul3A_244, %dma_start3A_245] : memref<10000x128xf32, #tpu.memory_space<vmem_shared>> -> memref<128x128xf32, #tpu.memory_space<vmem_shared>>
        %dma_start3A_247 = arith.constant 0 : i32
        %dma_start3A_248 = tpu.memref_slice %arg12[%mul3A_244, %dma_start3A_247] : memref<10000x128xf32, #tpu.memory_space<vmem_shared>> -> memref<128x128xf32, #tpu.memory_space<vmem_shared>>
        tpu.enqueue_dma source(%arg8 : memref<128x128xf32, #tpu.memory_space<vmem>>) target(%dma_start3A_248 : memref<128x128xf32, #tpu.memory_space<vmem_shared>>) target_semaphore(%run_scoped3A : memref<!tpu.dma_semaphore, #tpu.memory_space<semaphore_mem>>)
        %dma_wait3A_249 = arith.constant 0 : i32
        %dma_wait3A_250 = tpu.memref_slice %arg12[%mul3A_244, %dma_wait3A_249] : memref<10000x128xf32, #tpu.memory_space<vmem_shared>> -> memref<128x128xf32, #tpu.memory_space<vmem_shared>>
        %dma_wait3A_251 = arith.constant 0 : i32
        %dma_wait3A_252 = tpu.memref_slice %arg12[%mul3A_244, %dma_wait3A_251] : memref<10000x128xf32, #tpu.memory_space<vmem_shared>> -> memref<128x128xf32, #tpu.memory_space<vmem_shared>>
        tpu.wait_dma2 semaphore(%run_scoped3A : memref<!tpu.dma_semaphore, #tpu.memory_space<semaphore_mem>>) src(%arg8 : memref<128x128xf32, #tpu.memory_space<vmem>>) dst(%dma_wait3A_252 : memref<128x128xf32, #tpu.memory_space<vmem_shared>>)
        tpu.yield
      }) : () -> ()
    } else {
    }
    %eq3A = arith.constant 78 : i32
    %eq3A_15 = arith.cmpi eq, %add3A_12, %eq3A : i32
    %convert_element_type3A_16 = arith.extui %eq3A_15 : i1 to i32
    %cond3A_17 = arith.constant 0 : i32
    %cond3A_18 = arith.cmpi ne, %convert_element_type3A_16, %cond3A_17 : i32
    scf.if %cond3A_18 {
      %mul3A_243 = arith.constant 128 : i32
      %mul3A_244 = arith.muli %add3A_12, %mul3A_243 : i32
      "tpu.region"() ({
        %run_scoped3A = tpu.sem_alloc : memref<!tpu.dma_semaphore, #tpu.memory_space<semaphore_mem>>
        %dma_start3A_245 = arith.constant 0 : i32
        %dma_start3A_246 = arith.constant 0 : i32
        %dma_start3A_247 = tpu.memref_slice %arg8[%dma_start3A_245, %dma_start3A_246] : memref<128x128xf32, #tpu.memory_space<vmem>> -> memref<16x128xf32, #tpu.memory_space<vmem>>
        %dma_start3A_248 = arith.constant 0 : i32
        %dma_start3A_249 = tpu.memref_slice %arg12[%mul3A_244, %dma_start3A_248] : memref<10000x128xf32, #tpu.memory_space<vmem_shared>> -> memref<16x128xf32, #tpu.memory_space<vmem_shared>>
        %dma_start3A_250 = arith.constant 0 : i32
        %dma_start3A_251 = tpu.memref_slice %arg12[%mul3A_244, %dma_start3A_250] : memref<10000x128xf32, #tpu.memory_space<vmem_shared>> -> memref<16x128xf32, #tpu.memory_space<vmem_shared>>
        %dma_start3A_252 = arith.constant 0 : i32
        %dma_start3A_253 = arith.constant 0 : i32
        %dma_start3A_254 = tpu.memref_slice %arg8[%dma_start3A_252, %dma_start3A_253] : memref<128x128xf32, #tpu.memory_space<vmem>> -> memref<16x128xf32, #tpu.memory_space<vmem>>
        tpu.enqueue_dma source(%dma_start3A_254 : memref<16x128xf32, #tpu.memory_space<vmem>>) target(%dma_start3A_251 : memref<16x128xf32, #tpu.memory_space<vmem_shared>>) target_semaphore(%run_scoped3A : memref<!tpu.dma_semaphore, #tpu.memory_space<semaphore_mem>>)
        %dma_wait3A_255 = arith.constant 0 : i32
        %dma_wait3A_256 = arith.constant 0 : i32
        %dma_wait3A_257 = tpu.memref_slice %arg8[%dma_wait3A_255, %dma_wait3A_256] : memref<128x128xf32, #tpu.memory_space<vmem>> -> memref<16x128xf32, #tpu.memory_space<vmem>>
        %dma_wait3A_258 = arith.constant 0 : i32
        %dma_wait3A_259 = tpu.memref_slice %arg12[%mul3A_244, %dma_wait3A_258] : memref<10000x128xf32, #tpu.memory_space<vmem_shared>> -> memref<16x128xf32, #tpu.memory_space<vmem_shared>>
        %dma_wait3A_260 = arith.constant 0 : i32
        %dma_wait3A_261 = tpu.memref_slice %arg12[%mul3A_244, %dma_wait3A_260] : memref<10000x128xf32, #tpu.memory_space<vmem_shared>> -> memref<16x128xf32, #tpu.memory_space<vmem_shared>>
        %dma_wait3A_262 = arith.constant 0 : i32
        %dma_wait3A_263 = arith.constant 0 : i32
        %dma_wait3A_264 = tpu.memref_slice %arg8[%dma_wait3A_262, %dma_wait3A_263] : memref<128x128xf32, #tpu.memory_space<vmem>> -> memref<16x128xf32, #tpu.memory_space<vmem>>
        tpu.wait_dma2 semaphore(%run_scoped3A : memref<!tpu.dma_semaphore, #tpu.memory_space<semaphore_mem>>) src(%dma_wait3A_264 : memref<16x128xf32, #tpu.memory_space<vmem>>) dst(%dma_wait3A_261 : memref<16x128xf32, #tpu.memory_space<vmem_shared>>)
        tpu.yield
      }) : () -> ()
    } else {
    }
    %add3A_19 = arith.constant 16 : i32
    %add3A_20 = arith.addi %add3A_19, %arg1 : i32
    %lt3A_21 = arith.constant 78 : i32
    %lt3A_22 = arith.cmpi slt, %add3A_20, %lt3A_21 : i32
    %convert_element_type3A_23 = arith.extui %lt3A_22 : i1 to i32
    %cond3A_24 = arith.constant 0 : i32
    %cond3A_25 = arith.cmpi ne, %convert_element_type3A_23, %cond3A_24 : i32
    scf.if %cond3A_25 {
      %mul3A_243 = arith.constant 128 : i32
      %mul3A_244 = arith.muli %add3A_20, %mul3A_243 : i32
      "tpu.region"() ({
        %run_scoped3A = tpu.sem_alloc : memref<!tpu.dma_semaphore, #tpu.memory_space<semaphore_mem>>
        %dma_start3A_245 = arith.constant 0 : i32
        %dma_start3A_246 = tpu.memref_slice %arg12[%mul3A_244, %dma_start3A_245] : memref<10000x128xf32, #tpu.memory_space<vmem_shared>> -> memref<128x128xf32, #tpu.memory_space<vmem_shared>>
        %dma_start3A_247 = arith.constant 0 : i32
        %dma_start3A_248 = tpu.memref_slice %arg12[%mul3A_244, %dma_start3A_247] : memref<10000x128xf32, #tpu.memory_space<vmem_shared>> -> memref<128x128xf32, #tpu.memory_space<vmem_shared>>
        tpu.enqueue_dma source(%arg8 : memref<128x128xf32, #tpu.memory_space<vmem>>) target(%dma_start3A_248 : memref<128x128xf32, #tpu.memory_space<vmem_shared>>) target_semaphore(%run_scoped3A : memref<!tpu.dma_semaphore, #tpu.memory_space<semaphore_mem>>)
        %dma_wait3A_249 = arith.constant 0 : i32
        %dma_wait3A_250 = tpu.memref_slice %arg12[%mul3A_244, %dma_wait3A_249] : memref<10000x128xf32, #tpu.memory_space<vmem_shared>> -> memref<128x128xf32, #tpu.memory_space<vmem_shared>>
        %dma_wait3A_251 = arith.constant 0 : i32
        %dma_wait3A_252 = tpu.memref_slice %arg12[%mul3A_244, %dma_wait3A_251] : memref<10000x128xf32, #tpu.memory_space<vmem_shared>> -> memref<128x128xf32, #tpu.memory_space<vmem_shared>>
        tpu.wait_dma2 semaphore(%run_scoped3A : memref<!tpu.dma_semaphore, #tpu.memory_space<semaphore_mem>>) src(%arg8 : memref<128x128xf32, #tpu.memory_space<vmem>>) dst(%dma_wait3A_252 : memref<128x128xf32, #tpu.memory_space<vmem_shared>>)
        tpu.yield
      }) : () -> ()
    } else {
    }
    %eq3A_26 = arith.constant 78 : i32
    %eq3A_27 = arith.cmpi eq, %add3A_20, %eq3A_26 : i32
    %convert_element_type3A_28 = arith.extui %eq3A_27 : i1 to i32
    %cond3A_29 = arith.constant 0 : i32
    %cond3A_30 = arith.cmpi ne, %convert_element_type3A_28, %cond3A_29 : i32
    scf.if %cond3A_30 {
      %mul3A_243 = arith.constant 128 : i32
      %mul3A_244 = arith.muli %add3A_20, %mul3A_243 : i32
      "tpu.region"() ({
        %run_scoped3A = tpu.sem_alloc : memref<!tpu.dma_semaphore, #tpu.memory_space<semaphore_mem>>
        %dma_start3A_245 = arith.constant 0 : i32
        %dma_start3A_246 = arith.constant 0 : i32
        %dma_start3A_247 = tpu.memref_slice %arg8[%dma_start3A_245, %dma_start3A_246] : memref<128x128xf32, #tpu.memory_space<vmem>> -> memref<16x128xf32, #tpu.memory_space<vmem>>
        %dma_start3A_248 = arith.constant 0 : i32
        %dma_start3A_249 = tpu.memref_slice %arg12[%mul3A_244, %dma_start3A_248] : memref<10000x128xf32, #tpu.memory_space<vmem_shared>> -> memref<16x128xf32, #tpu.memory_space<vmem_shared>>
        %dma_start3A_250 = arith.constant 0 : i32
        %dma_start3A_251 = tpu.memref_slice %arg12[%mul3A_244, %dma_start3A_250] : memref<10000x128xf32, #tpu.memory_space<vmem_shared>> -> memref<16x128xf32, #tpu.memory_space<vmem_shared>>
        %dma_start3A_252 = arith.constant 0 : i32
        %dma_start3A_253 = arith.constant 0 : i32
        %dma_start3A_254 = tpu.memref_slice %arg8[%dma_start3A_252, %dma_start3A_253] : memref<128x128xf32, #tpu.memory_space<vmem>> -> memref<16x128xf32, #tpu.memory_space<vmem>>
        tpu.enqueue_dma source(%dma_start3A_254 : memref<16x128xf32, #tpu.memory_space<vmem>>) target(%dma_start3A_251 : memref<16x128xf32, #tpu.memory_space<vmem_shared>>) target_semaphore(%run_scoped3A : memref<!tpu.dma_semaphore, #tpu.memory_space<semaphore_mem>>)
        %dma_wait3A_255 = arith.constant 0 : i32
        %dma_wait3A_256 = arith.constant 0 : i32
        %dma_wait3A_257 = tpu.memref_slice %arg8[%dma_wait3A_255, %dma_wait3A_256] : memref<128x128xf32, #tpu.memory_space<vmem>> -> memref<16x128xf32, #tpu.memory_space<vmem>>
        %dma_wait3A_258 = arith.constant 0 : i32
        %dma_wait3A_259 = tpu.memref_slice %arg12[%mul3A_244, %dma_wait3A_258] : memref<10000x128xf32, #tpu.memory_space<vmem_shared>> -> memref<16x128xf32, #tpu.memory_space<vmem_shared>>
        %dma_wait3A_260 = arith.constant 0 : i32
        %dma_wait3A_261 = tpu.memref_slice %arg12[%mul3A_244, %dma_wait3A_260] : memref<10000x128xf32, #tpu.memory_space<vmem_shared>> -> memref<16x128xf32, #tpu.memory_space<vmem_shared>>
        %dma_wait3A_262 = arith.constant 0 : i32
        %dma_wait3A_263 = arith.constant 0 : i32
        %dma_wait3A_264 = tpu.memref_slice %arg8[%dma_wait3A_262, %dma_wait3A_263] : memref<128x128xf32, #tpu.memory_space<vmem>> -> memref<16x128xf32, #tpu.memory_space<vmem>>
        tpu.wait_dma2 semaphore(%run_scoped3A : memref<!tpu.dma_semaphore, #tpu.memory_space<semaphore_mem>>) src(%dma_wait3A_264 : memref<16x128xf32, #tpu.memory_space<vmem>>) dst(%dma_wait3A_261 : memref<16x128xf32, #tpu.memory_space<vmem_shared>>)
        tpu.yield
      }) : () -> ()
    } else {
    }
    %add3A_31 = arith.constant 32 : i32
    %add3A_32 = arith.addi %add3A_31, %arg1 : i32
    %lt3A_33 = arith.constant 78 : i32
    %lt3A_34 = arith.cmpi slt, %add3A_32, %lt3A_33 : i32
    %convert_element_type3A_35 = arith.extui %lt3A_34 : i1 to i32
    %cond3A_36 = arith.constant 0 : i32
    %cond3A_37 = arith.cmpi ne, %convert_element_type3A_35, %cond3A_36 : i32
    scf.if %cond3A_37 {
      %mul3A_243 = arith.constant 128 : i32
      %mul3A_244 = arith.muli %add3A_32, %mul3A_243 : i32
      "tpu.region"() ({
        %run_scoped3A = tpu.sem_alloc : memref<!tpu.dma_semaphore, #tpu.memory_space<semaphore_mem>>
        %dma_start3A_245 = arith.constant 0 : i32
        %dma_start3A_246 = tpu.memref_slice %arg12[%mul3A_244, %dma_start3A_245] : memref<10000x128xf32, #tpu.memory_space<vmem_shared>> -> memref<128x128xf32, #tpu.memory_space<vmem_shared>>
        %dma_start3A_247 = arith.constant 0 : i32
        %dma_start3A_248 = tpu.memref_slice %arg12[%mul3A_244, %dma_start3A_247] : memref<10000x128xf32, #tpu.memory_space<vmem_shared>> -> memref<128x128xf32, #tpu.memory_space<vmem_shared>>
        tpu.enqueue_dma source(%arg8 : memref<128x128xf32, #tpu.memory_space<vmem>>) target(%dma_start3A_248 : memref<128x128xf32, #tpu.memory_space<vmem_shared>>) target_semaphore(%run_scoped3A : memref<!tpu.dma_semaphore, #tpu.memory_space<semaphore_mem>>)
        %dma_wait3A_249 = arith.constant 0 : i32
        %dma_wait3A_250 = tpu.memref_slice %arg12[%mul3A_244, %dma_wait3A_249] : memref<10000x128xf32, #tpu.memory_space<vmem_shared>> -> memref<128x128xf32, #tpu.memory_space<vmem_shared>>
        %dma_wait3A_251 = arith.constant 0 : i32
        %dma_wait3A_252 = tpu.memref_slice %arg12[%mul3A_244, %dma_wait3A_251] : memref<10000x128xf32, #tpu.memory_space<vmem_shared>> -> memref<128x128xf32, #tpu.memory_space<vmem_shared>>
        tpu.wait_dma2 semaphore(%run_scoped3A : memref<!tpu.dma_semaphore, #tpu.memory_space<semaphore_mem>>) src(%arg8 : memref<128x128xf32, #tpu.memory_space<vmem>>) dst(%dma_wait3A_252 : memref<128x128xf32, #tpu.memory_space<vmem_shared>>)
        tpu.yield
      }) : () -> ()
    } else {
    }
    %eq3A_38 = arith.constant 78 : i32
    %eq3A_39 = arith.cmpi eq, %add3A_32, %eq3A_38 : i32
    %convert_element_type3A_40 = arith.extui %eq3A_39 : i1 to i32
    %cond3A_41 = arith.constant 0 : i32
    %cond3A_42 = arith.cmpi ne, %convert_element_type3A_40, %cond3A_41 : i32
    scf.if %cond3A_42 {
      %mul3A_243 = arith.constant 128 : i32
      %mul3A_244 = arith.muli %add3A_32, %mul3A_243 : i32
      "tpu.region"() ({
        %run_scoped3A = tpu.sem_alloc : memref<!tpu.dma_semaphore, #tpu.memory_space<semaphore_mem>>
        %dma_start3A_245 = arith.constant 0 : i32
        %dma_start3A_246 = arith.constant 0 : i32
        %dma_start3A_247 = tpu.memref_slice %arg8[%dma_start3A_245, %dma_start3A_246] : memref<128x128xf32, #tpu.memory_space<vmem>> -> memref<16x128xf32, #tpu.memory_space<vmem>>
        %dma_start3A_248 = arith.constant 0 : i32
        %dma_start3A_249 = tpu.memref_slice %arg12[%mul3A_244, %dma_start3A_248] : memref<10000x128xf32, #tpu.memory_space<vmem_shared>> -> memref<16x128xf32, #tpu.memory_space<vmem_shared>>
        %dma_start3A_250 = arith.constant 0 : i32
        %dma_start3A_251 = tpu.memref_slice %arg12[%mul3A_244, %dma_start3A_250] : memref<10000x128xf32, #tpu.memory_space<vmem_shared>> -> memref<16x128xf32, #tpu.memory_space<vmem_shared>>
        %dma_start3A_252 = arith.constant 0 : i32
        %dma_start3A_253 = arith.constant 0 : i32
        %dma_start3A_254 = tpu.memref_slice %arg8[%dma_start3A_252, %dma_start3A_253] : memref<128x128xf32, #tpu.memory_space<vmem>> -> memref<16x128xf32, #tpu.memory_space<vmem>>
        tpu.enqueue_dma source(%dma_start3A_254 : memref<16x128xf32, #tpu.memory_space<vmem>>) target(%dma_start3A_251 : memref<16x128xf32, #tpu.memory_space<vmem_shared>>) target_semaphore(%run_scoped3A : memref<!tpu.dma_semaphore, #tpu.memory_space<semaphore_mem>>)
        %dma_wait3A_255 = arith.constant 0 : i32
        %dma_wait3A_256 = arith.constant 0 : i32
        %dma_wait3A_257 = tpu.memref_slice %arg8[%dma_wait3A_255, %dma_wait3A_256] : memref<128x128xf32, #tpu.memory_space<vmem>> -> memref<16x128xf32, #tpu.memory_space<vmem>>
        %dma_wait3A_258 = arith.constant 0 : i32
        %dma_wait3A_259 = tpu.memref_slice %arg12[%mul3A_244, %dma_wait3A_258] : memref<10000x128xf32, #tpu.memory_space<vmem_shared>> -> memref<16x128xf32, #tpu.memory_space<vmem_shared>>
        %dma_wait3A_260 = arith.constant 0 : i32
        %dma_wait3A_261 = tpu.memref_slice %arg12[%mul3A_244, %dma_wait3A_260] : memref<10000x128xf32, #tpu.memory_space<vmem_shared>> -> memref<16x128xf32, #tpu.memory_space<vmem_shared>>
        %dma_wait3A_262 = arith.constant 0 : i32
        %dma_wait3A_263 = arith.constant 0 : i32
        %dma_wait3A_264 = tpu.memref_slice %arg8[%dma_wait3A_262, %dma_wait3A_263] : memref<128x128xf32, #tpu.memory_space<vmem>> -> memref<16x128xf32, #tpu.memory_space<vmem>>
        tpu.wait_dma2 semaphore(%run_scoped3A : memref<!tpu.dma_semaphore, #tpu.memory_space<semaphore_mem>>) src(%dma_wait3A_264 : memref<16x128xf32, #tpu.memory_space<vmem>>) dst(%dma_wait3A_261 : memref<16x128xf32, #tpu.memory_space<vmem_shared>>)
        tpu.yield
      }) : () -> ()
    } else {
    }
    %add3A_43 = arith.constant 48 : i32
    %add3A_44 = arith.addi %add3A_43, %arg1 : i32
    %lt3A_45 = arith.constant 78 : i32
    %lt3A_46 = arith.cmpi slt, %add3A_44, %lt3A_45 : i32
    %convert_element_type3A_47 = arith.extui %lt3A_46 : i1 to i32
    %cond3A_48 = arith.constant 0 : i32
    %cond3A_49 = arith.cmpi ne, %convert_element_type3A_47, %cond3A_48 : i32
    scf.if %cond3A_49 {
      %mul3A_243 = arith.constant 128 : i32
      %mul3A_244 = arith.muli %add3A_44, %mul3A_243 : i32
      "tpu.region"() ({
        %run_scoped3A = tpu.sem_alloc : memref<!tpu.dma_semaphore, #tpu.memory_space<semaphore_mem>>
        %dma_start3A_245 = arith.constant 0 : i32
        %dma_start3A_246 = tpu.memref_slice %arg12[%mul3A_244, %dma_start3A_245] : memref<10000x128xf32, #tpu.memory_space<vmem_shared>> -> memref<128x128xf32, #tpu.memory_space<vmem_shared>>
        %dma_start3A_247 = arith.constant 0 : i32
        %dma_start3A_248 = tpu.memref_slice %arg12[%mul3A_244, %dma_start3A_247] : memref<10000x128xf32, #tpu.memory_space<vmem_shared>> -> memref<128x128xf32, #tpu.memory_space<vmem_shared>>
        tpu.enqueue_dma source(%arg8 : memref<128x128xf32, #tpu.memory_space<vmem>>) target(%dma_start3A_248 : memref<128x128xf32, #tpu.memory_space<vmem_shared>>) target_semaphore(%run_scoped3A : memref<!tpu.dma_semaphore, #tpu.memory_space<semaphore_mem>>)
        %dma_wait3A_249 = arith.constant 0 : i32
        %dma_wait3A_250 = tpu.memref_slice %arg12[%mul3A_244, %dma_wait3A_249] : memref<10000x128xf32, #tpu.memory_space<vmem_shared>> -> memref<128x128xf32, #tpu.memory_space<vmem_shared>>
        %dma_wait3A_251 = arith.constant 0 : i32
        %dma_wait3A_252 = tpu.memref_slice %arg12[%mul3A_244, %dma_wait3A_251] : memref<10000x128xf32, #tpu.memory_space<vmem_shared>> -> memref<128x128xf32, #tpu.memory_space<vmem_shared>>
        tpu.wait_dma2 semaphore(%run_scoped3A : memref<!tpu.dma_semaphore, #tpu.memory_space<semaphore_mem>>) src(%arg8 : memref<128x128xf32, #tpu.memory_space<vmem>>) dst(%dma_wait3A_252 : memref<128x128xf32, #tpu.memory_space<vmem_shared>>)
        tpu.yield
      }) : () -> ()
    } else {
    }
    %eq3A_50 = arith.constant 78 : i32
    %eq3A_51 = arith.cmpi eq, %add3A_44, %eq3A_50 : i32
    %convert_element_type3A_52 = arith.extui %eq3A_51 : i1 to i32
    %cond3A_53 = arith.constant 0 : i32
    %cond3A_54 = arith.cmpi ne, %convert_element_type3A_52, %cond3A_53 : i32
    scf.if %cond3A_54 {
      %mul3A_243 = arith.constant 128 : i32
      %mul3A_244 = arith.muli %add3A_44, %mul3A_243 : i32
      "tpu.region"() ({
        %run_scoped3A = tpu.sem_alloc : memref<!tpu.dma_semaphore, #tpu.memory_space<semaphore_mem>>
        %dma_start3A_245 = arith.constant 0 : i32
        %dma_start3A_246 = arith.constant 0 : i32
        %dma_start3A_247 = tpu.memref_slice %arg8[%dma_start3A_245, %dma_start3A_246] : memref<128x128xf32, #tpu.memory_space<vmem>> -> memref<16x128xf32, #tpu.memory_space<vmem>>
        %dma_start3A_248 = arith.constant 0 : i32
        %dma_start3A_249 = tpu.memref_slice %arg12[%mul3A_244, %dma_start3A_248] : memref<10000x128xf32, #tpu.memory_space<vmem_shared>> -> memref<16x128xf32, #tpu.memory_space<vmem_shared>>
        %dma_start3A_250 = arith.constant 0 : i32
        %dma_start3A_251 = tpu.memref_slice %arg12[%mul3A_244, %dma_start3A_250] : memref<10000x128xf32, #tpu.memory_space<vmem_shared>> -> memref<16x128xf32, #tpu.memory_space<vmem_shared>>
        %dma_start3A_252 = arith.constant 0 : i32
        %dma_start3A_253 = arith.constant 0 : i32
        %dma_start3A_254 = tpu.memref_slice %arg8[%dma_start3A_252, %dma_start3A_253] : memref<128x128xf32, #tpu.memory_space<vmem>> -> memref<16x128xf32, #tpu.memory_space<vmem>>
        tpu.enqueue_dma source(%dma_start3A_254 : memref<16x128xf32, #tpu.memory_space<vmem>>) target(%dma_start3A_251 : memref<16x128xf32, #tpu.memory_space<vmem_shared>>) target_semaphore(%run_scoped3A : memref<!tpu.dma_semaphore, #tpu.memory_space<semaphore_mem>>)
        %dma_wait3A_255 = arith.constant 0 : i32
        %dma_wait3A_256 = arith.constant 0 : i32
        %dma_wait3A_257 = tpu.memref_slice %arg8[%dma_wait3A_255, %dma_wait3A_256] : memref<128x128xf32, #tpu.memory_space<vmem>> -> memref<16x128xf32, #tpu.memory_space<vmem>>
        %dma_wait3A_258 = arith.constant 0 : i32
        %dma_wait3A_259 = tpu.memref_slice %arg12[%mul3A_244, %dma_wait3A_258] : memref<10000x128xf32, #tpu.memory_space<vmem_shared>> -> memref<16x128xf32, #tpu.memory_space<vmem_shared>>
        %dma_wait3A_260 = arith.constant 0 : i32
        %dma_wait3A_261 = tpu.memref_slice %arg12[%mul3A_244, %dma_wait3A_260] : memref<10000x128xf32, #tpu.memory_space<vmem_shared>> -> memref<16x128xf32, #tpu.memory_space<vmem_shared>>
        %dma_wait3A_262 = arith.constant 0 : i32
        %dma_wait3A_263 = arith.constant 0 : i32
        %dma_wait3A_264 = tpu.memref_slice %arg8[%dma_wait3A_262, %dma_wait3A_263] : memref<128x128xf32, #tpu.memory_space<vmem>> -> memref<16x128xf32, #tpu.memory_space<vmem>>
        tpu.wait_dma2 semaphore(%run_scoped3A : memref<!tpu.dma_semaphore, #tpu.memory_space<semaphore_mem>>) src(%dma_wait3A_264 : memref<16x128xf32, #tpu.memory_space<vmem>>) dst(%dma_wait3A_261 : memref<16x128xf32, #tpu.memory_space<vmem_shared>>)
        tpu.yield
      }) : () -> ()
    } else {
    }
    %add3A_55 = arith.constant 64 : i32
    %add3A_56 = arith.addi %add3A_55, %arg1 : i32
    %lt3A_57 = arith.constant 78 : i32
    %lt3A_58 = arith.cmpi slt, %add3A_56, %lt3A_57 : i32
    %convert_element_type3A_59 = arith.extui %lt3A_58 : i1 to i32
    %cond3A_60 = arith.constant 0 : i32
    %cond3A_61 = arith.cmpi ne, %convert_element_type3A_59, %cond3A_60 : i32
    scf.if %cond3A_61 {
      %mul3A_243 = arith.constant 128 : i32
      %mul3A_244 = arith.muli %add3A_56, %mul3A_243 : i32
      "tpu.region"() ({
        %run_scoped3A = tpu.sem_alloc : memref<!tpu.dma_semaphore, #tpu.memory_space<semaphore_mem>>
        %dma_start3A_245 = arith.constant 0 : i32
        %dma_start3A_246 = tpu.memref_slice %arg12[%mul3A_244, %dma_start3A_245] : memref<10000x128xf32, #tpu.memory_space<vmem_shared>> -> memref<128x128xf32, #tpu.memory_space<vmem_shared>>
        %dma_start3A_247 = arith.constant 0 : i32
        %dma_start3A_248 = tpu.memref_slice %arg12[%mul3A_244, %dma_start3A_247] : memref<10000x128xf32, #tpu.memory_space<vmem_shared>> -> memref<128x128xf32, #tpu.memory_space<vmem_shared>>
        tpu.enqueue_dma source(%arg8 : memref<128x128xf32, #tpu.memory_space<vmem>>) target(%dma_start3A_248 : memref<128x128xf32, #tpu.memory_space<vmem_shared>>) target_semaphore(%run_scoped3A : memref<!tpu.dma_semaphore, #tpu.memory_space<semaphore_mem>>)
        %dma_wait3A_249 = arith.constant 0 : i32
        %dma_wait3A_250 = tpu.memref_slice %arg12[%mul3A_244, %dma_wait3A_249] : memref<10000x128xf32, #tpu.memory_space<vmem_shared>> -> memref<128x128xf32, #tpu.memory_space<vmem_shared>>
        %dma_wait3A_251 = arith.constant 0 : i32
        %dma_wait3A_252 = tpu.memref_slice %arg12[%mul3A_244, %dma_wait3A_251] : memref<10000x128xf32, #tpu.memory_space<vmem_shared>> -> memref<128x128xf32, #tpu.memory_space<vmem_shared>>
        tpu.wait_dma2 semaphore(%run_scoped3A : memref<!tpu.dma_semaphore, #tpu.memory_space<semaphore_mem>>) src(%arg8 : memref<128x128xf32, #tpu.memory_space<vmem>>) dst(%dma_wait3A_252 : memref<128x128xf32, #tpu.memory_space<vmem_shared>>)
        tpu.yield
      }) : () -> ()
    } else {
    }
    %eq3A_62 = arith.constant 78 : i32
    %eq3A_63 = arith.cmpi eq, %add3A_56, %eq3A_62 : i32
    %convert_element_type3A_64 = arith.extui %eq3A_63 : i1 to i32
    %cond3A_65 = arith.constant 0 : i32
    %cond3A_66 = arith.cmpi ne, %convert_element_type3A_64, %cond3A_65 : i32
    scf.if %cond3A_66 {
      %mul3A_243 = arith.constant 128 : i32
      %mul3A_244 = arith.muli %add3A_56, %mul3A_243 : i32
      "tpu.region"() ({
        %run_scoped3A = tpu.sem_alloc : memref<!tpu.dma_semaphore, #tpu.memory_space<semaphore_mem>>
        %dma_start3A_245 = arith.constant 0 : i32
        %dma_start3A_246 = arith.constant 0 : i32
        %dma_start3A_247 = tpu.memref_slice %arg8[%dma_start3A_245, %dma_start3A_246] : memref<128x128xf32, #tpu.memory_space<vmem>> -> memref<16x128xf32, #tpu.memory_space<vmem>>
        %dma_start3A_248 = arith.constant 0 : i32
        %dma_start3A_249 = tpu.memref_slice %arg12[%mul3A_244, %dma_start3A_248] : memref<10000x128xf32, #tpu.memory_space<vmem_shared>> -> memref<16x128xf32, #tpu.memory_space<vmem_shared>>
        %dma_start3A_250 = arith.constant 0 : i32
        %dma_start3A_251 = tpu.memref_slice %arg12[%mul3A_244, %dma_start3A_250] : memref<10000x128xf32, #tpu.memory_space<vmem_shared>> -> memref<16x128xf32, #tpu.memory_space<vmem_shared>>
        %dma_start3A_252 = arith.constant 0 : i32
        %dma_start3A_253 = arith.constant 0 : i32
        %dma_start3A_254 = tpu.memref_slice %arg8[%dma_start3A_252, %dma_start3A_253] : memref<128x128xf32, #tpu.memory_space<vmem>> -> memref<16x128xf32, #tpu.memory_space<vmem>>
        tpu.enqueue_dma source(%dma_start3A_254 : memref<16x128xf32, #tpu.memory_space<vmem>>) target(%dma_start3A_251 : memref<16x128xf32, #tpu.memory_space<vmem_shared>>) target_semaphore(%run_scoped3A : memref<!tpu.dma_semaphore, #tpu.memory_space<semaphore_mem>>)
        %dma_wait3A_255 = arith.constant 0 : i32
        %dma_wait3A_256 = arith.constant 0 : i32
        %dma_wait3A_257 = tpu.memref_slice %arg8[%dma_wait3A_255, %dma_wait3A_256] : memref<128x128xf32, #tpu.memory_space<vmem>> -> memref<16x128xf32, #tpu.memory_space<vmem>>
        %dma_wait3A_258 = arith.constant 0 : i32
        %dma_wait3A_259 = tpu.memref_slice %arg12[%mul3A_244, %dma_wait3A_258] : memref<10000x128xf32, #tpu.memory_space<vmem_shared>> -> memref<16x128xf32, #tpu.memory_space<vmem_shared>>
        %dma_wait3A_260 = arith.constant 0 : i32
        %dma_wait3A_261 = tpu.memref_slice %arg12[%mul3A_244, %dma_wait3A_260] : memref<10000x128xf32, #tpu.memory_space<vmem_shared>> -> memref<16x128xf32, #tpu.memory_space<vmem_shared>>
        %dma_wait3A_262 = arith.constant 0 : i32
        %dma_wait3A_263 = arith.constant 0 : i32
        %dma_wait3A_264 = tpu.memref_slice %arg8[%dma_wait3A_262, %dma_wait3A_263] : memref<128x128xf32, #tpu.memory_space<vmem>> -> memref<16x128xf32, #tpu.memory_space<vmem>>
        tpu.wait_dma2 semaphore(%run_scoped3A : memref<!tpu.dma_semaphore, #tpu.memory_space<semaphore_mem>>) src(%dma_wait3A_264 : memref<16x128xf32, #tpu.memory_space<vmem>>) dst(%dma_wait3A_261 : memref<16x128xf32, #tpu.memory_space<vmem_shared>>)
        tpu.yield
      }) : () -> ()
    } else {
    }
    %barrier3A = arith.constant 0 : index
    tpu.barrier barrier_id(%barrier3A)
    %scan3A = arith.constant 0 : i32
    %scan3A_67 = arith.constant 0 : i32
    %scan3A_68 = arith.constant 26 : i32
    %scan3A_69 = arith.addi %scan3A_67, %scan3A_68 : i32
    %scan3A_70 = arith.constant 1 : i32
    scf.for %scan3A_243 = %scan3A_67 to %scan3A_69 step %scan3A_70  : i32 {
      %mul3A_244 = arith.constant 3 : i32
      %mul3A_245 = arith.muli %mul3A_244, %scan3A_243 : i32
      %ge3A = arith.constant 2 : i32
      %ge3A_246 = arith.cmpi sge, %mul3A_245, %ge3A : i32
      %convert_element_type3A_247 = arith.extui %ge3A_246 : i1 to i32
      %cond3A_248 = arith.constant 0 : i32
      %cond3A_249 = arith.cmpi ne, %convert_element_type3A_247, %cond3A_248 : i32
      scf.if %cond3A_249 {
        %dma_wait3A_339 = arith.constant 0 : i32
        %dma_wait3A_340 = arith.constant 0 : i32
        %dma_wait3A_341 = tpu.memref_slice %arg12[%dma_wait3A_339, %dma_wait3A_340] : memref<10000x128xf32, #tpu.memory_space<vmem_shared>> -> memref<10000x128xf32, #tpu.memory_space<vmem_shared>>
        tpu.wait_indirect_dma semaphore(%arg17 : memref<!tpu.dma_semaphore, #tpu.memory_space<semaphore_mem>>) src(%arg7 : memref<128x128xf32, #tpu.memory_space<vmem>>) dst(%dma_wait3A_341 : memref<10000x128xf32, #tpu.memory_space<vmem_shared>>)
      } else {
      }
      %add3A_250 = arith.constant 1 : i32
      %add3A_251 = arith.addi %mul3A_245, %add3A_250 : i32
      %lt3A_252 = arith.constant 78 : i32
      %lt3A_253 = arith.cmpi slt, %add3A_251, %lt3A_252 : i32
      %convert_element_type3A_254 = arith.extui %lt3A_253 : i1 to i32
      %cond3A_255 = arith.constant 0 : i32
      %cond3A_256 = arith.cmpi ne, %convert_element_type3A_254, %cond3A_255 : i32
      scf.if %cond3A_256 {
        %add3A_339 = arith.constant 1 : i32
        %add3A_340 = arith.addi %mul3A_245, %add3A_339 : i32
        %mul3A_341 = arith.constant 128 : i32
        %mul3A_342 = arith.muli %add3A_340, %mul3A_341 : i32
        %add3A_343 = arith.addi %mul3A_2, %mul3A_342 : i32
        %mul3A_344 = arith.constant 128 : i32
        %mul3A_345 = arith.muli %add3A_340, %mul3A_344 : i32
        %add3A_346 = arith.addi %mul3A_2, %mul3A_345 : i32
        %dma_start3A_347 = arith.constant 0 : i32
        %dma_start3A_348 = tpu.memref_slice %arg3[%add3A_343, %dma_start3A_347] : memref<320000x128xf32, #tpu.memory_space<hbm>> -> memref<128x128xf32, #tpu.memory_space<hbm>>
        %dma_start3A_349 = arith.constant 0 : i32
        %dma_start3A_350 = tpu.memref_slice %arg3[%add3A_343, %dma_start3A_349] : memref<320000x128xf32, #tpu.memory_space<hbm>> -> memref<128x128xf32, #tpu.memory_space<hbm>>
        tpu.enqueue_dma source(%dma_start3A_350 : memref<128x128xf32, #tpu.memory_space<hbm>>) target(%arg7 : memref<128x128xf32, #tpu.memory_space<vmem>>) target_semaphore(%arg14 : memref<!tpu.dma_semaphore, #tpu.memory_space<semaphore_mem>>)
        %dma_start3A_351 = arith.constant 0 : i32
        %dma_start3A_352 = tpu.memref_slice %arg2[%dma_start3A_351, %add3A_346] : memref<2x320000xi32, #tpu.memory_space<hbm>> -> memref<1x128xi32, #tpu.memory_space<hbm>>
        %dma_start3A_353 = tpu.memref_squeeze %dma_start3A_352 : memref<1x128xi32, #tpu.memory_space<hbm>> -> memref<128xi32, #tpu.memory_space<hbm>>
        %dma_start3A_354 = tpu.memref_slice %arg2[%dma_start3A_351, %add3A_346] : memref<2x320000xi32, #tpu.memory_space<hbm>> -> memref<1x128xi32, #tpu.memory_space<hbm>>
        %dma_start3A_355 = tpu.memref_squeeze %dma_start3A_354 : memref<1x128xi32, #tpu.memory_space<hbm>> -> memref<128xi32, #tpu.memory_space<hbm>>
        tpu.enqueue_dma source(%dma_start3A_355 : memref<128xi32, #tpu.memory_space<hbm>>) target(%arg10 : memref<128xi32, #tpu.memory_space<vmem>>) target_semaphore(%arg14 : memref<!tpu.dma_semaphore, #tpu.memory_space<semaphore_mem>>)
      } else {
      }
      %mul3A_257 = arith.constant 128 : i32
      %mul3A_258 = arith.muli %mul3A_245, %mul3A_257 : i32
      %add3A_259 = arith.addi %mul3A_2, %mul3A_258 : i32
      %mul3A_260 = arith.constant 128 : i32
      %mul3A_261 = arith.muli %mul3A_245, %mul3A_260 : i32
      %add3A_262 = arith.addi %mul3A_2, %mul3A_261 : i32
      %dma_wait3A_263 = arith.constant 0 : i32
      %dma_wait3A_264 = tpu.memref_slice %arg3[%add3A_259, %dma_wait3A_263] : memref<320000x128xf32, #tpu.memory_space<hbm>> -> memref<128x128xf32, #tpu.memory_space<hbm>>
      %dma_wait3A_265 = arith.constant 0 : i32
      %dma_wait3A_266 = tpu.memref_slice %arg3[%add3A_259, %dma_wait3A_265] : memref<320000x128xf32, #tpu.memory_space<hbm>> -> memref<128x128xf32, #tpu.memory_space<hbm>>
      tpu.wait_dma2 semaphore(%arg13 : memref<!tpu.dma_semaphore, #tpu.memory_space<semaphore_mem>>) src(%dma_wait3A_266 : memref<128x128xf32, #tpu.memory_space<hbm>>) dst(%arg6 : memref<128x128xf32, #tpu.memory_space<vmem>>)
      %dma_wait3A_267 = arith.constant 0 : i32
      %dma_wait3A_268 = tpu.memref_slice %arg2[%dma_wait3A_267, %add3A_262] : memref<2x320000xi32, #tpu.memory_space<hbm>> -> memref<1x128xi32, #tpu.memory_space<hbm>>
      %dma_wait3A_269 = tpu.memref_squeeze %dma_wait3A_268 : memref<1x128xi32, #tpu.memory_space<hbm>> -> memref<128xi32, #tpu.memory_space<hbm>>
      %dma_wait3A_270 = tpu.memref_slice %arg2[%dma_wait3A_267, %add3A_262] : memref<2x320000xi32, #tpu.memory_space<hbm>> -> memref<1x128xi32, #tpu.memory_space<hbm>>
      %dma_wait3A_271 = tpu.memref_squeeze %dma_wait3A_270 : memref<1x128xi32, #tpu.memory_space<hbm>> -> memref<128xi32, #tpu.memory_space<hbm>>
      tpu.wait_dma2 semaphore(%arg13 : memref<!tpu.dma_semaphore, #tpu.memory_space<semaphore_mem>>) src(%dma_wait3A_271 : memref<128xi32, #tpu.memory_space<hbm>>) dst(%arg9 : memref<128xi32, #tpu.memory_space<vmem>>)
      %dma_start3A_272 = arith.constant 0 : i32
      %dma_start3A_273 = arith.constant 0 : i32
      %dma_start3A_274 = tpu.memref_slice %arg12[%dma_start3A_272, %dma_start3A_273] : memref<10000x128xf32, #tpu.memory_space<vmem_shared>> -> memref<10000x128xf32, #tpu.memory_space<vmem_shared>>
      tpu.enqueue_indirect_dma source(%arg6 : memref<128x128xf32, #tpu.memory_space<vmem>>) target(%dma_start3A_274 : memref<10000x128xf32, #tpu.memory_space<vmem_shared>>) offsets(%arg9 : memref<128xi32, #tpu.memory_space<vmem>>) semaphore(%arg16 : memref<!tpu.dma_semaphore, #tpu.memory_space<semaphore_mem>>) {add = true}
      %add3A_275 = arith.constant 1 : i32
      %add3A_276 = arith.addi %mul3A_245, %add3A_275 : i32
      %ge3A_277 = arith.constant 2 : i32
      %ge3A_278 = arith.cmpi sge, %add3A_276, %ge3A_277 : i32
      %convert_element_type3A_279 = arith.extui %ge3A_278 : i1 to i32
      %cond3A_280 = arith.constant 0 : i32
      %cond3A_281 = arith.cmpi ne, %convert_element_type3A_279, %cond3A_280 : i32
      scf.if %cond3A_281 {
        %dma_wait3A_339 = arith.constant 0 : i32
        %dma_wait3A_340 = arith.constant 0 : i32
        %dma_wait3A_341 = tpu.memref_slice %arg12[%dma_wait3A_339, %dma_wait3A_340] : memref<10000x128xf32, #tpu.memory_space<vmem_shared>> -> memref<10000x128xf32, #tpu.memory_space<vmem_shared>>
        tpu.wait_indirect_dma semaphore(%arg18 : memref<!tpu.dma_semaphore, #tpu.memory_space<semaphore_mem>>) src(%arg8 : memref<128x128xf32, #tpu.memory_space<vmem>>) dst(%dma_wait3A_341 : memref<10000x128xf32, #tpu.memory_space<vmem_shared>>)
      } else {
      }
      %add3A_282 = arith.constant 1 : i32
      %add3A_283 = arith.addi %add3A_276, %add3A_282 : i32
      %lt3A_284 = arith.constant 78 : i32
      %lt3A_285 = arith.cmpi slt, %add3A_283, %lt3A_284 : i32
      %convert_element_type3A_286 = arith.extui %lt3A_285 : i1 to i32
      %cond3A_287 = arith.constant 0 : i32
      %cond3A_288 = arith.cmpi ne, %convert_element_type3A_286, %cond3A_287 : i32
      scf.if %cond3A_288 {
        %add3A_339 = arith.constant 1 : i32
        %add3A_340 = arith.addi %add3A_276, %add3A_339 : i32
        %mul3A_341 = arith.constant 128 : i32
        %mul3A_342 = arith.muli %add3A_340, %mul3A_341 : i32
        %add3A_343 = arith.addi %mul3A_2, %mul3A_342 : i32
        %mul3A_344 = arith.constant 128 : i32
        %mul3A_345 = arith.muli %add3A_340, %mul3A_344 : i32
        %add3A_346 = arith.addi %mul3A_2, %mul3A_345 : i32
        %dma_start3A_347 = arith.constant 0 : i32
        %dma_start3A_348 = tpu.memref_slice %arg3[%add3A_343, %dma_start3A_347] : memref<320000x128xf32, #tpu.memory_space<hbm>> -> memref<128x128xf32, #tpu.memory_space<hbm>>
        %dma_start3A_349 = arith.constant 0 : i32
        %dma_start3A_350 = tpu.memref_slice %arg3[%add3A_343, %dma_start3A_349] : memref<320000x128xf32, #tpu.memory_space<hbm>> -> memref<128x128xf32, #tpu.memory_space<hbm>>
        tpu.enqueue_dma source(%dma_start3A_350 : memref<128x128xf32, #tpu.memory_space<hbm>>) target(%arg8 : memref<128x128xf32, #tpu.memory_space<vmem>>) target_semaphore(%arg15 : memref<!tpu.dma_semaphore, #tpu.memory_space<semaphore_mem>>)
        %dma_start3A_351 = arith.constant 0 : i32
        %dma_start3A_352 = tpu.memref_slice %arg2[%dma_start3A_351, %add3A_346] : memref<2x320000xi32, #tpu.memory_space<hbm>> -> memref<1x128xi32, #tpu.memory_space<hbm>>
        %dma_start3A_353 = tpu.memref_squeeze %dma_start3A_352 : memref<1x128xi32, #tpu.memory_space<hbm>> -> memref<128xi32, #tpu.memory_space<hbm>>
        %dma_start3A_354 = tpu.memref_slice %arg2[%dma_start3A_351, %add3A_346] : memref<2x320000xi32, #tpu.memory_space<hbm>> -> memref<1x128xi32, #tpu.memory_space<hbm>>
        %dma_start3A_355 = tpu.memref_squeeze %dma_start3A_354 : memref<1x128xi32, #tpu.memory_space<hbm>> -> memref<128xi32, #tpu.memory_space<hbm>>
        tpu.enqueue_dma source(%dma_start3A_355 : memref<128xi32, #tpu.memory_space<hbm>>) target(%arg11 : memref<128xi32, #tpu.memory_space<vmem>>) target_semaphore(%arg15 : memref<!tpu.dma_semaphore, #tpu.memory_space<semaphore_mem>>)
      } else {
      }
      %mul3A_289 = arith.constant 128 : i32
      %mul3A_290 = arith.muli %add3A_276, %mul3A_289 : i32
      %add3A_291 = arith.addi %mul3A_2, %mul3A_290 : i32
      %mul3A_292 = arith.constant 128 : i32
      %mul3A_293 = arith.muli %add3A_276, %mul3A_292 : i32
      %add3A_294 = arith.addi %mul3A_2, %mul3A_293 : i32
      %dma_wait3A_295 = arith.constant 0 : i32
      %dma_wait3A_296 = tpu.memref_slice %arg3[%add3A_291, %dma_wait3A_295] : memref<320000x128xf32, #tpu.memory_space<hbm>> -> memref<128x128xf32, #tpu.memory_space<hbm>>
      %dma_wait3A_297 = arith.constant 0 : i32
      %dma_wait3A_298 = tpu.memref_slice %arg3[%add3A_291, %dma_wait3A_297] : memref<320000x128xf32, #tpu.memory_space<hbm>> -> memref<128x128xf32, #tpu.memory_space<hbm>>
      tpu.wait_dma2 semaphore(%arg14 : memref<!tpu.dma_semaphore, #tpu.memory_space<semaphore_mem>>) src(%dma_wait3A_298 : memref<128x128xf32, #tpu.memory_space<hbm>>) dst(%arg7 : memref<128x128xf32, #tpu.memory_space<vmem>>)
      %dma_wait3A_299 = arith.constant 0 : i32
      %dma_wait3A_300 = tpu.memref_slice %arg2[%dma_wait3A_299, %add3A_294] : memref<2x320000xi32, #tpu.memory_space<hbm>> -> memref<1x128xi32, #tpu.memory_space<hbm>>
      %dma_wait3A_301 = tpu.memref_squeeze %dma_wait3A_300 : memref<1x128xi32, #tpu.memory_space<hbm>> -> memref<128xi32, #tpu.memory_space<hbm>>
      %dma_wait3A_302 = tpu.memref_slice %arg2[%dma_wait3A_299, %add3A_294] : memref<2x320000xi32, #tpu.memory_space<hbm>> -> memref<1x128xi32, #tpu.memory_space<hbm>>
      %dma_wait3A_303 = tpu.memref_squeeze %dma_wait3A_302 : memref<1x128xi32, #tpu.memory_space<hbm>> -> memref<128xi32, #tpu.memory_space<hbm>>
      tpu.wait_dma2 semaphore(%arg14 : memref<!tpu.dma_semaphore, #tpu.memory_space<semaphore_mem>>) src(%dma_wait3A_303 : memref<128xi32, #tpu.memory_space<hbm>>) dst(%arg10 : memref<128xi32, #tpu.memory_space<vmem>>)
      %dma_start3A_304 = arith.constant 0 : i32
      %dma_start3A_305 = arith.constant 0 : i32
      %dma_start3A_306 = tpu.memref_slice %arg12[%dma_start3A_304, %dma_start3A_305] : memref<10000x128xf32, #tpu.memory_space<vmem_shared>> -> memref<10000x128xf32, #tpu.memory_space<vmem_shared>>
      tpu.enqueue_indirect_dma source(%arg7 : memref<128x128xf32, #tpu.memory_space<vmem>>) target(%dma_start3A_306 : memref<10000x128xf32, #tpu.memory_space<vmem_shared>>) offsets(%arg10 : memref<128xi32, #tpu.memory_space<vmem>>) semaphore(%arg17 : memref<!tpu.dma_semaphore, #tpu.memory_space<semaphore_mem>>) {add = true}
      %add3A_307 = arith.constant 2 : i32
      %add3A_308 = arith.addi %mul3A_245, %add3A_307 : i32
      %ge3A_309 = arith.constant 2 : i32
      %ge3A_310 = arith.cmpi sge, %add3A_308, %ge3A_309 : i32
      %convert_element_type3A_311 = arith.extui %ge3A_310 : i1 to i32
      %cond3A_312 = arith.constant 0 : i32
      %cond3A_313 = arith.cmpi ne, %convert_element_type3A_311, %cond3A_312 : i32
      scf.if %cond3A_313 {
        %dma_wait3A_339 = arith.constant 0 : i32
        %dma_wait3A_340 = arith.constant 0 : i32
        %dma_wait3A_341 = tpu.memref_slice %arg12[%dma_wait3A_339, %dma_wait3A_340] : memref<10000x128xf32, #tpu.memory_space<vmem_shared>> -> memref<10000x128xf32, #tpu.memory_space<vmem_shared>>
        tpu.wait_indirect_dma semaphore(%arg16 : memref<!tpu.dma_semaphore, #tpu.memory_space<semaphore_mem>>) src(%arg6 : memref<128x128xf32, #tpu.memory_space<vmem>>) dst(%dma_wait3A_341 : memref<10000x128xf32, #tpu.memory_space<vmem_shared>>)
      } else {
      }
      %add3A_314 = arith.constant 1 : i32
      %add3A_315 = arith.addi %add3A_308, %add3A_314 : i32
      %lt3A_316 = arith.constant 78 : i32
      %lt3A_317 = arith.cmpi slt, %add3A_315, %lt3A_316 : i32
      %convert_element_type3A_318 = arith.extui %lt3A_317 : i1 to i32
      %cond3A_319 = arith.constant 0 : i32
      %cond3A_320 = arith.cmpi ne, %convert_element_type3A_318, %cond3A_319 : i32
      scf.if %cond3A_320 {
        %add3A_339 = arith.constant 1 : i32
        %add3A_340 = arith.addi %add3A_308, %add3A_339 : i32
        %mul3A_341 = arith.constant 128 : i32
        %mul3A_342 = arith.muli %add3A_340, %mul3A_341 : i32
        %add3A_343 = arith.addi %mul3A_2, %mul3A_342 : i32
        %mul3A_344 = arith.constant 128 : i32
        %mul3A_345 = arith.muli %add3A_340, %mul3A_344 : i32
        %add3A_346 = arith.addi %mul3A_2, %mul3A_345 : i32
        %dma_start3A_347 = arith.constant 0 : i32
        %dma_start3A_348 = tpu.memref_slice %arg3[%add3A_343, %dma_start3A_347] : memref<320000x128xf32, #tpu.memory_space<hbm>> -> memref<128x128xf32, #tpu.memory_space<hbm>>
        %dma_start3A_349 = arith.constant 0 : i32
        %dma_start3A_350 = tpu.memref_slice %arg3[%add3A_343, %dma_start3A_349] : memref<320000x128xf32, #tpu.memory_space<hbm>> -> memref<128x128xf32, #tpu.memory_space<hbm>>
        tpu.enqueue_dma source(%dma_start3A_350 : memref<128x128xf32, #tpu.memory_space<hbm>>) target(%arg6 : memref<128x128xf32, #tpu.memory_space<vmem>>) target_semaphore(%arg13 : memref<!tpu.dma_semaphore, #tpu.memory_space<semaphore_mem>>)
        %dma_start3A_351 = arith.constant 0 : i32
        %dma_start3A_352 = tpu.memref_slice %arg2[%dma_start3A_351, %add3A_346] : memref<2x320000xi32, #tpu.memory_space<hbm>> -> memref<1x128xi32, #tpu.memory_space<hbm>>
        %dma_start3A_353 = tpu.memref_squeeze %dma_start3A_352 : memref<1x128xi32, #tpu.memory_space<hbm>> -> memref<128xi32, #tpu.memory_space<hbm>>
        %dma_start3A_354 = tpu.memref_slice %arg2[%dma_start3A_351, %add3A_346] : memref<2x320000xi32, #tpu.memory_space<hbm>> -> memref<1x128xi32, #tpu.memory_space<hbm>>
        %dma_start3A_355 = tpu.memref_squeeze %dma_start3A_354 : memref<1x128xi32, #tpu.memory_space<hbm>> -> memref<128xi32, #tpu.memory_space<hbm>>
        tpu.enqueue_dma source(%dma_start3A_355 : memref<128xi32, #tpu.memory_space<hbm>>) target(%arg9 : memref<128xi32, #tpu.memory_space<vmem>>) target_semaphore(%arg13 : memref<!tpu.dma_semaphore, #tpu.memory_space<semaphore_mem>>)
      } else {
      }
      %mul3A_321 = arith.constant 128 : i32
      %mul3A_322 = arith.muli %add3A_308, %mul3A_321 : i32
      %add3A_323 = arith.addi %mul3A_2, %mul3A_322 : i32
      %mul3A_324 = arith.constant 128 : i32
      %mul3A_325 = arith.muli %add3A_308, %mul3A_324 : i32
      %add3A_326 = arith.addi %mul3A_2, %mul3A_325 : i32
      %dma_wait3A_327 = arith.constant 0 : i32
      %dma_wait3A_328 = tpu.memref_slice %arg3[%add3A_323, %dma_wait3A_327] : memref<320000x128xf32, #tpu.memory_space<hbm>> -> memref<128x128xf32, #tpu.memory_space<hbm>>
      %dma_wait3A_329 = arith.constant 0 : i32
      %dma_wait3A_330 = tpu.memref_slice %arg3[%add3A_323, %dma_wait3A_329] : memref<320000x128xf32, #tpu.memory_space<hbm>> -> memref<128x128xf32, #tpu.memory_space<hbm>>
      tpu.wait_dma2 semaphore(%arg15 : memref<!tpu.dma_semaphore, #tpu.memory_space<semaphore_mem>>) src(%dma_wait3A_330 : memref<128x128xf32, #tpu.memory_space<hbm>>) dst(%arg8 : memref<128x128xf32, #tpu.memory_space<vmem>>)
      %dma_wait3A_331 = arith.constant 0 : i32
      %dma_wait3A_332 = tpu.memref_slice %arg2[%dma_wait3A_331, %add3A_326] : memref<2x320000xi32, #tpu.memory_space<hbm>> -> memref<1x128xi32, #tpu.memory_space<hbm>>
      %dma_wait3A_333 = tpu.memref_squeeze %dma_wait3A_332 : memref<1x128xi32, #tpu.memory_space<hbm>> -> memref<128xi32, #tpu.memory_space<hbm>>
      %dma_wait3A_334 = tpu.memref_slice %arg2[%dma_wait3A_331, %add3A_326] : memref<2x320000xi32, #tpu.memory_space<hbm>> -> memref<1x128xi32, #tpu.memory_space<hbm>>
      %dma_wait3A_335 = tpu.memref_squeeze %dma_wait3A_334 : memref<1x128xi32, #tpu.memory_space<hbm>> -> memref<128xi32, #tpu.memory_space<hbm>>
      tpu.wait_dma2 semaphore(%arg15 : memref<!tpu.dma_semaphore, #tpu.memory_space<semaphore_mem>>) src(%dma_wait3A_335 : memref<128xi32, #tpu.memory_space<hbm>>) dst(%arg11 : memref<128xi32, #tpu.memory_space<vmem>>)
      %dma_start3A_336 = arith.constant 0 : i32
      %dma_start3A_337 = arith.constant 0 : i32
      %dma_start3A_338 = tpu.memref_slice %arg12[%dma_start3A_336, %dma_start3A_337] : memref<10000x128xf32, #tpu.memory_space<vmem_shared>> -> memref<10000x128xf32, #tpu.memory_space<vmem_shared>>
      tpu.enqueue_indirect_dma source(%arg8 : memref<128x128xf32, #tpu.memory_space<vmem>>) target(%dma_start3A_338 : memref<10000x128xf32, #tpu.memory_space<vmem_shared>>) offsets(%arg11 : memref<128xi32, #tpu.memory_space<vmem>>) semaphore(%arg18 : memref<!tpu.dma_semaphore, #tpu.memory_space<semaphore_mem>>) {add = true}
    }
    %scan3A_71 = arith.constant 26 : i32
    %dma_wait3A = arith.constant 0 : i32
    %dma_wait3A_72 = arith.constant 0 : i32
    %dma_wait3A_73 = tpu.memref_slice %arg12[%dma_wait3A, %dma_wait3A_72] : memref<10000x128xf32, #tpu.memory_space<vmem_shared>> -> memref<10000x128xf32, #tpu.memory_space<vmem_shared>>
    tpu.wait_indirect_dma semaphore(%arg17 : memref<!tpu.dma_semaphore, #tpu.memory_space<semaphore_mem>>) src(%arg7 : memref<128x128xf32, #tpu.memory_space<vmem>>) dst(%dma_wait3A_73 : memref<10000x128xf32, #tpu.memory_space<vmem_shared>>)
    %dma_wait3A_74 = arith.constant 0 : i32
    %dma_wait3A_75 = arith.constant 0 : i32
    %dma_wait3A_76 = tpu.memref_slice %arg12[%dma_wait3A_74, %dma_wait3A_75] : memref<10000x128xf32, #tpu.memory_space<vmem_shared>> -> memref<10000x128xf32, #tpu.memory_space<vmem_shared>>
    tpu.wait_indirect_dma semaphore(%arg18 : memref<!tpu.dma_semaphore, #tpu.memory_space<semaphore_mem>>) src(%arg8 : memref<128x128xf32, #tpu.memory_space<vmem>>) dst(%dma_wait3A_76 : memref<10000x128xf32, #tpu.memory_space<vmem_shared>>)
    %lt3A_77 = arith.constant 4 : i32
    %lt3A_78 = arith.cmpi slt, %add3A, %lt3A_77 : i32
    %convert_element_type3A_79 = arith.extui %lt3A_78 : i1 to i32
    %cond3A_80 = arith.constant 0 : i32
    %cond3A_81 = arith.cmpi ne, %convert_element_type3A_79, %cond3A_80 : i32
    scf.if %cond3A_81 {
      %mul3A_243 = arith.constant 128 : i32
      %mul3A_244 = arith.muli %add3A, %mul3A_243 : i32
      %add3A_245 = arith.constant 319488 : i32
      %add3A_246 = arith.addi %add3A_245, %mul3A_244 : i32
      "tpu.region"() ({
        %run_scoped3A_247 = tpu.sem_alloc : memref<!tpu.dma_semaphore, #tpu.memory_space<semaphore_mem>>
        %dma_start3A_248 = arith.constant 0 : i32
        %dma_start3A_249 = tpu.memref_slice %arg3[%add3A_246, %dma_start3A_248] : memref<320000x128xf32, #tpu.memory_space<hbm>> -> memref<128x128xf32, #tpu.memory_space<hbm>>
        %dma_start3A_250 = arith.constant 0 : i32
        %dma_start3A_251 = tpu.memref_slice %arg3[%add3A_246, %dma_start3A_250] : memref<320000x128xf32, #tpu.memory_space<hbm>> -> memref<128x128xf32, #tpu.memory_space<hbm>>
        tpu.enqueue_dma source(%dma_start3A_251 : memref<128x128xf32, #tpu.memory_space<hbm>>) target(%arg6 : memref<128x128xf32, #tpu.memory_space<vmem>>) target_semaphore(%run_scoped3A_247 : memref<!tpu.dma_semaphore, #tpu.memory_space<semaphore_mem>>)
        %dma_wait3A_252 = arith.constant 0 : i32
        %dma_wait3A_253 = tpu.memref_slice %arg3[%add3A_246, %dma_wait3A_252] : memref<320000x128xf32, #tpu.memory_space<hbm>> -> memref<128x128xf32, #tpu.memory_space<hbm>>
        %dma_wait3A_254 = arith.constant 0 : i32
        %dma_wait3A_255 = tpu.memref_slice %arg3[%add3A_246, %dma_wait3A_254] : memref<320000x128xf32, #tpu.memory_space<hbm>> -> memref<128x128xf32, #tpu.memory_space<hbm>>
        tpu.wait_dma2 semaphore(%run_scoped3A_247 : memref<!tpu.dma_semaphore, #tpu.memory_space<semaphore_mem>>) src(%dma_wait3A_255 : memref<128x128xf32, #tpu.memory_space<hbm>>) dst(%arg6 : memref<128x128xf32, #tpu.memory_space<vmem>>)
        tpu.yield
      }) : () -> ()
      %run_scoped3A = arith.constant 0 : i32
      "tpu.region"() ({
        %run_scoped3A_247 = tpu.sem_alloc : memref<!tpu.dma_semaphore, #tpu.memory_space<semaphore_mem>>
        %dma_start3A_248 = tpu.memref_slice %arg2[%run_scoped3A, %add3A_246] : memref<2x320000xi32, #tpu.memory_space<hbm>> -> memref<1x128xi32, #tpu.memory_space<hbm>>
        %dma_start3A_249 = tpu.memref_squeeze %dma_start3A_248 : memref<1x128xi32, #tpu.memory_space<hbm>> -> memref<128xi32, #tpu.memory_space<hbm>>
        %dma_start3A_250 = tpu.memref_slice %arg2[%run_scoped3A, %add3A_246] : memref<2x320000xi32, #tpu.memory_space<hbm>> -> memref<1x128xi32, #tpu.memory_space<hbm>>
        %dma_start3A_251 = tpu.memref_squeeze %dma_start3A_250 : memref<1x128xi32, #tpu.memory_space<hbm>> -> memref<128xi32, #tpu.memory_space<hbm>>
        tpu.enqueue_dma source(%dma_start3A_251 : memref<128xi32, #tpu.memory_space<hbm>>) target(%arg9 : memref<128xi32, #tpu.memory_space<vmem>>) target_semaphore(%run_scoped3A_247 : memref<!tpu.dma_semaphore, #tpu.memory_space<semaphore_mem>>)
        %dma_wait3A_252 = tpu.memref_slice %arg2[%run_scoped3A, %add3A_246] : memref<2x320000xi32, #tpu.memory_space<hbm>> -> memref<1x128xi32, #tpu.memory_space<hbm>>
        %dma_wait3A_253 = tpu.memref_squeeze %dma_wait3A_252 : memref<1x128xi32, #tpu.memory_space<hbm>> -> memref<128xi32, #tpu.memory_space<hbm>>
        %dma_wait3A_254 = tpu.memref_slice %arg2[%run_scoped3A, %add3A_246] : memref<2x320000xi32, #tpu.memory_space<hbm>> -> memref<1x128xi32, #tpu.memory_space<hbm>>
        %dma_wait3A_255 = tpu.memref_squeeze %dma_wait3A_254 : memref<1x128xi32, #tpu.memory_space<hbm>> -> memref<128xi32, #tpu.memory_space<hbm>>
        tpu.wait_dma2 semaphore(%run_scoped3A_247 : memref<!tpu.dma_semaphore, #tpu.memory_space<semaphore_mem>>) src(%dma_wait3A_255 : memref<128xi32, #tpu.memory_space<hbm>>) dst(%arg9 : memref<128xi32, #tpu.memory_space<vmem>>)
        tpu.yield
      }) : () -> ()
      "tpu.region"() ({
        %run_scoped3A_247 = tpu.sem_alloc : memref<!tpu.dma_semaphore, #tpu.memory_space<semaphore_mem>>
        %dma_start3A_248 = arith.constant 0 : i32
        %dma_start3A_249 = arith.constant 0 : i32
        %dma_start3A_250 = tpu.memref_slice %arg12[%dma_start3A_248, %dma_start3A_249] : memref<10000x128xf32, #tpu.memory_space<vmem_shared>> -> memref<10000x128xf32, #tpu.memory_space<vmem_shared>>
        tpu.enqueue_indirect_dma source(%arg6 : memref<128x128xf32, #tpu.memory_space<vmem>>) target(%dma_start3A_250 : memref<10000x128xf32, #tpu.memory_space<vmem_shared>>) offsets(%arg9 : memref<128xi32, #tpu.memory_space<vmem>>) semaphore(%run_scoped3A_247 : memref<!tpu.dma_semaphore, #tpu.memory_space<semaphore_mem>>) {add = true}
        %dma_wait3A_251 = arith.constant 0 : i32
        %dma_wait3A_252 = arith.constant 0 : i32
        %dma_wait3A_253 = tpu.memref_slice %arg12[%dma_wait3A_251, %dma_wait3A_252] : memref<10000x128xf32, #tpu.memory_space<vmem_shared>> -> memref<10000x128xf32, #tpu.memory_space<vmem_shared>>
        tpu.wait_indirect_dma semaphore(%run_scoped3A_247 : memref<!tpu.dma_semaphore, #tpu.memory_space<semaphore_mem>>) src(%arg6 : memref<128x128xf32, #tpu.memory_space<vmem>>) dst(%dma_wait3A_253 : memref<10000x128xf32, #tpu.memory_space<vmem_shared>>)
        tpu.yield
      }) : () -> ()
    } else {
    }
    %barrier3A_82 = arith.constant 0 : index
    tpu.barrier barrier_id(%barrier3A_82)
    %add3A_83 = arith.constant 0 : i32
    %add3A_84 = arith.addi %add3A_83, %arg1 : i32
    %mul3A_85 = arith.constant 128 : i32
    %mul3A_86 = arith.muli %add3A_84, %mul3A_85 : i32
    %mul3A_87 = arith.constant 128 : i32
    %mul3A_88 = arith.muli %add3A_84, %mul3A_87 : i32
    %lt3A_89 = arith.constant 78 : i32
    %lt3A_90 = arith.cmpi slt, %add3A_84, %lt3A_89 : i32
    %convert_element_type3A_91 = arith.extui %lt3A_90 : i1 to i32
    %cond3A_92 = arith.constant 0 : i32
    %cond3A_93 = arith.cmpi ne, %convert_element_type3A_91, %cond3A_92 : i32
    scf.if %cond3A_93 {
      %mul3A_243 = arith.constant 128 : i32
      %mul3A_244 = arith.muli %add3A_84, %mul3A_243 : i32
      "tpu.region"() ({
        %run_scoped3A = tpu.sem_alloc : memref<!tpu.dma_semaphore, #tpu.memory_space<semaphore_mem>>
        %dma_start3A_251 = arith.constant 0 : i32
        %dma_start3A_252 = tpu.memref_slice %arg12[%mul3A_244, %dma_start3A_251] : memref<10000x128xf32, #tpu.memory_space<vmem_shared>> -> memref<128x128xf32, #tpu.memory_space<vmem_shared>>
        %dma_start3A_253 = arith.constant 0 : i32
        %dma_start3A_254 = tpu.memref_slice %arg12[%mul3A_244, %dma_start3A_253] : memref<10000x128xf32, #tpu.memory_space<vmem_shared>> -> memref<128x128xf32, #tpu.memory_space<vmem_shared>>
        tpu.enqueue_dma source(%dma_start3A_254 : memref<128x128xf32, #tpu.memory_space<vmem_shared>>) target(%arg6 : memref<128x128xf32, #tpu.memory_space<vmem>>) target_semaphore(%run_scoped3A : memref<!tpu.dma_semaphore, #tpu.memory_space<semaphore_mem>>)
        %dma_wait3A_255 = arith.constant 0 : i32
        %dma_wait3A_256 = tpu.memref_slice %arg12[%mul3A_244, %dma_wait3A_255] : memref<10000x128xf32, #tpu.memory_space<vmem_shared>> -> memref<128x128xf32, #tpu.memory_space<vmem_shared>>
        %dma_wait3A_257 = arith.constant 0 : i32
        %dma_wait3A_258 = tpu.memref_slice %arg12[%mul3A_244, %dma_wait3A_257] : memref<10000x128xf32, #tpu.memory_space<vmem_shared>> -> memref<128x128xf32, #tpu.memory_space<vmem_shared>>
        tpu.wait_dma2 semaphore(%run_scoped3A : memref<!tpu.dma_semaphore, #tpu.memory_space<semaphore_mem>>) src(%dma_wait3A_258 : memref<128x128xf32, #tpu.memory_space<vmem_shared>>) dst(%arg6 : memref<128x128xf32, #tpu.memory_space<vmem>>)
        tpu.yield
      }) : () -> ()
      %dma_start3A_245 = arith.constant 0 : i32
      %dma_start3A_246 = tpu.memref_slice %arg5[%arg0, %mul3A_86, %dma_start3A_245] : memref<2x10000x128xf32, #tpu.memory_space<hbm>> -> memref<1x128x128xf32, #tpu.memory_space<hbm>>
      %dma_start3A_247 = tpu.memref_squeeze %dma_start3A_246 : memref<1x128x128xf32, #tpu.memory_space<hbm>> -> memref<128x128xf32, #tpu.memory_space<hbm>>
      %dma_start3A_248 = arith.constant 0 : i32
      %dma_start3A_249 = tpu.memref_slice %arg5[%arg0, %mul3A_86, %dma_start3A_248] : memref<2x10000x128xf32, #tpu.memory_space<hbm>> -> memref<1x128x128xf32, #tpu.memory_space<hbm>>
      %dma_start3A_250 = tpu.memref_squeeze %dma_start3A_249 : memref<1x128x128xf32, #tpu.memory_space<hbm>> -> memref<128x128xf32, #tpu.memory_space<hbm>>
      tpu.enqueue_dma source(%arg6 : memref<128x128xf32, #tpu.memory_space<vmem>>) target(%dma_start3A_250 : memref<128x128xf32, #tpu.memory_space<hbm>>) target_semaphore(%arg16 : memref<!tpu.dma_semaphore, #tpu.memory_space<semaphore_mem>>)
    } else {
    }
    %eq3A_94 = arith.constant 78 : i32
    %eq3A_95 = arith.cmpi eq, %add3A_84, %eq3A_94 : i32
    %convert_element_type3A_96 = arith.extui %eq3A_95 : i1 to i32
    %cond3A_97 = arith.constant 0 : i32
    %cond3A_98 = arith.cmpi ne, %convert_element_type3A_96, %cond3A_97 : i32
    scf.if %cond3A_98 {
      %mul3A_243 = arith.constant 128 : i32
      %mul3A_244 = arith.muli %add3A_84, %mul3A_243 : i32
      "tpu.region"() ({
        %run_scoped3A = tpu.sem_alloc : memref<!tpu.dma_semaphore, #tpu.memory_space<semaphore_mem>>
        %dma_start3A_257 = arith.constant 0 : i32
        %dma_start3A_258 = arith.constant 0 : i32
        %dma_start3A_259 = tpu.memref_slice %arg6[%dma_start3A_257, %dma_start3A_258] : memref<128x128xf32, #tpu.memory_space<vmem>> -> memref<16x128xf32, #tpu.memory_space<vmem>>
        %dma_start3A_260 = arith.constant 0 : i32
        %dma_start3A_261 = tpu.memref_slice %arg12[%mul3A_244, %dma_start3A_260] : memref<10000x128xf32, #tpu.memory_space<vmem_shared>> -> memref<16x128xf32, #tpu.memory_space<vmem_shared>>
        %dma_start3A_262 = arith.constant 0 : i32
        %dma_start3A_263 = arith.constant 0 : i32
        %dma_start3A_264 = tpu.memref_slice %arg6[%dma_start3A_262, %dma_start3A_263] : memref<128x128xf32, #tpu.memory_space<vmem>> -> memref<16x128xf32, #tpu.memory_space<vmem>>
        %dma_start3A_265 = arith.constant 0 : i32
        %dma_start3A_266 = tpu.memref_slice %arg12[%mul3A_244, %dma_start3A_265] : memref<10000x128xf32, #tpu.memory_space<vmem_shared>> -> memref<16x128xf32, #tpu.memory_space<vmem_shared>>
        tpu.enqueue_dma source(%dma_start3A_266 : memref<16x128xf32, #tpu.memory_space<vmem_shared>>) target(%dma_start3A_264 : memref<16x128xf32, #tpu.memory_space<vmem>>) target_semaphore(%run_scoped3A : memref<!tpu.dma_semaphore, #tpu.memory_space<semaphore_mem>>)
        %dma_wait3A_267 = arith.constant 0 : i32
        %dma_wait3A_268 = arith.constant 0 : i32
        %dma_wait3A_269 = tpu.memref_slice %arg6[%dma_wait3A_267, %dma_wait3A_268] : memref<128x128xf32, #tpu.memory_space<vmem>> -> memref<16x128xf32, #tpu.memory_space<vmem>>
        %dma_wait3A_270 = arith.constant 0 : i32
        %dma_wait3A_271 = tpu.memref_slice %arg12[%mul3A_244, %dma_wait3A_270] : memref<10000x128xf32, #tpu.memory_space<vmem_shared>> -> memref<16x128xf32, #tpu.memory_space<vmem_shared>>
        %dma_wait3A_272 = arith.constant 0 : i32
        %dma_wait3A_273 = arith.constant 0 : i32
        %dma_wait3A_274 = tpu.memref_slice %arg6[%dma_wait3A_272, %dma_wait3A_273] : memref<128x128xf32, #tpu.memory_space<vmem>> -> memref<16x128xf32, #tpu.memory_space<vmem>>
        %dma_wait3A_275 = arith.constant 0 : i32
        %dma_wait3A_276 = tpu.memref_slice %arg12[%mul3A_244, %dma_wait3A_275] : memref<10000x128xf32, #tpu.memory_space<vmem_shared>> -> memref<16x128xf32, #tpu.memory_space<vmem_shared>>
        tpu.wait_dma2 semaphore(%run_scoped3A : memref<!tpu.dma_semaphore, #tpu.memory_space<semaphore_mem>>) src(%dma_wait3A_276 : memref<16x128xf32, #tpu.memory_space<vmem_shared>>) dst(%dma_wait3A_274 : memref<16x128xf32, #tpu.memory_space<vmem>>)
        tpu.yield
      }) : () -> ()
      %dma_start3A_245 = arith.constant 0 : i32
      %dma_start3A_246 = arith.constant 0 : i32
      %dma_start3A_247 = tpu.memref_slice %arg6[%dma_start3A_245, %dma_start3A_246] : memref<128x128xf32, #tpu.memory_space<vmem>> -> memref<16x128xf32, #tpu.memory_space<vmem>>
      %dma_start3A_248 = arith.constant 0 : i32
      %dma_start3A_249 = tpu.memref_slice %arg5[%arg0, %mul3A_88, %dma_start3A_248] : memref<2x10000x128xf32, #tpu.memory_space<hbm>> -> memref<1x16x128xf32, #tpu.memory_space<hbm>>
      %dma_start3A_250 = tpu.memref_squeeze %dma_start3A_249 : memref<1x16x128xf32, #tpu.memory_space<hbm>> -> memref<16x128xf32, #tpu.memory_space<hbm>>
      %dma_start3A_251 = arith.constant 0 : i32
      %dma_start3A_252 = tpu.memref_slice %arg5[%arg0, %mul3A_88, %dma_start3A_251] : memref<2x10000x128xf32, #tpu.memory_space<hbm>> -> memref<1x16x128xf32, #tpu.memory_space<hbm>>
      %dma_start3A_253 = tpu.memref_squeeze %dma_start3A_252 : memref<1x16x128xf32, #tpu.memory_space<hbm>> -> memref<16x128xf32, #tpu.memory_space<hbm>>
      %dma_start3A_254 = arith.constant 0 : i32
      %dma_start3A_255 = arith.constant 0 : i32
      %dma_start3A_256 = tpu.memref_slice %arg6[%dma_start3A_254, %dma_start3A_255] : memref<128x128xf32, #tpu.memory_space<vmem>> -> memref<16x128xf32, #tpu.memory_space<vmem>>
      tpu.enqueue_dma source(%dma_start3A_256 : memref<16x128xf32, #tpu.memory_space<vmem>>) target(%dma_start3A_253 : memref<16x128xf32, #tpu.memory_space<hbm>>) target_semaphore(%arg16 : memref<!tpu.dma_semaphore, #tpu.memory_space<semaphore_mem>>)
    } else {
    }
    %add3A_99 = arith.constant 16 : i32
    %add3A_100 = arith.addi %add3A_99, %arg1 : i32
    %mul3A_101 = arith.constant 128 : i32
    %mul3A_102 = arith.muli %add3A_100, %mul3A_101 : i32
    %mul3A_103 = arith.constant 128 : i32
    %mul3A_104 = arith.muli %add3A_100, %mul3A_103 : i32
    %lt3A_105 = arith.constant 78 : i32
    %lt3A_106 = arith.cmpi slt, %add3A_100, %lt3A_105 : i32
    %convert_element_type3A_107 = arith.extui %lt3A_106 : i1 to i32
    %cond3A_108 = arith.constant 0 : i32
    %cond3A_109 = arith.cmpi ne, %convert_element_type3A_107, %cond3A_108 : i32
    scf.if %cond3A_109 {
      %mul3A_243 = arith.constant 128 : i32
      %mul3A_244 = arith.muli %add3A_100, %mul3A_243 : i32
      "tpu.region"() ({
        %run_scoped3A = tpu.sem_alloc : memref<!tpu.dma_semaphore, #tpu.memory_space<semaphore_mem>>
        %dma_start3A_251 = arith.constant 0 : i32
        %dma_start3A_252 = tpu.memref_slice %arg12[%mul3A_244, %dma_start3A_251] : memref<10000x128xf32, #tpu.memory_space<vmem_shared>> -> memref<128x128xf32, #tpu.memory_space<vmem_shared>>
        %dma_start3A_253 = arith.constant 0 : i32
        %dma_start3A_254 = tpu.memref_slice %arg12[%mul3A_244, %dma_start3A_253] : memref<10000x128xf32, #tpu.memory_space<vmem_shared>> -> memref<128x128xf32, #tpu.memory_space<vmem_shared>>
        tpu.enqueue_dma source(%dma_start3A_254 : memref<128x128xf32, #tpu.memory_space<vmem_shared>>) target(%arg7 : memref<128x128xf32, #tpu.memory_space<vmem>>) target_semaphore(%run_scoped3A : memref<!tpu.dma_semaphore, #tpu.memory_space<semaphore_mem>>)
        %dma_wait3A_255 = arith.constant 0 : i32
        %dma_wait3A_256 = tpu.memref_slice %arg12[%mul3A_244, %dma_wait3A_255] : memref<10000x128xf32, #tpu.memory_space<vmem_shared>> -> memref<128x128xf32, #tpu.memory_space<vmem_shared>>
        %dma_wait3A_257 = arith.constant 0 : i32
        %dma_wait3A_258 = tpu.memref_slice %arg12[%mul3A_244, %dma_wait3A_257] : memref<10000x128xf32, #tpu.memory_space<vmem_shared>> -> memref<128x128xf32, #tpu.memory_space<vmem_shared>>
        tpu.wait_dma2 semaphore(%run_scoped3A : memref<!tpu.dma_semaphore, #tpu.memory_space<semaphore_mem>>) src(%dma_wait3A_258 : memref<128x128xf32, #tpu.memory_space<vmem_shared>>) dst(%arg7 : memref<128x128xf32, #tpu.memory_space<vmem>>)
        tpu.yield
      }) : () -> ()
      %dma_start3A_245 = arith.constant 0 : i32
      %dma_start3A_246 = tpu.memref_slice %arg5[%arg0, %mul3A_102, %dma_start3A_245] : memref<2x10000x128xf32, #tpu.memory_space<hbm>> -> memref<1x128x128xf32, #tpu.memory_space<hbm>>
      %dma_start3A_247 = tpu.memref_squeeze %dma_start3A_246 : memref<1x128x128xf32, #tpu.memory_space<hbm>> -> memref<128x128xf32, #tpu.memory_space<hbm>>
      %dma_start3A_248 = arith.constant 0 : i32
      %dma_start3A_249 = tpu.memref_slice %arg5[%arg0, %mul3A_102, %dma_start3A_248] : memref<2x10000x128xf32, #tpu.memory_space<hbm>> -> memref<1x128x128xf32, #tpu.memory_space<hbm>>
      %dma_start3A_250 = tpu.memref_squeeze %dma_start3A_249 : memref<1x128x128xf32, #tpu.memory_space<hbm>> -> memref<128x128xf32, #tpu.memory_space<hbm>>
      tpu.enqueue_dma source(%arg7 : memref<128x128xf32, #tpu.memory_space<vmem>>) target(%dma_start3A_250 : memref<128x128xf32, #tpu.memory_space<hbm>>) target_semaphore(%arg17 : memref<!tpu.dma_semaphore, #tpu.memory_space<semaphore_mem>>)
    } else {
    }
    %eq3A_110 = arith.constant 78 : i32
    %eq3A_111 = arith.cmpi eq, %add3A_100, %eq3A_110 : i32
    %convert_element_type3A_112 = arith.extui %eq3A_111 : i1 to i32
    %cond3A_113 = arith.constant 0 : i32
    %cond3A_114 = arith.cmpi ne, %convert_element_type3A_112, %cond3A_113 : i32
    scf.if %cond3A_114 {
      %mul3A_243 = arith.constant 128 : i32
      %mul3A_244 = arith.muli %add3A_100, %mul3A_243 : i32
      "tpu.region"() ({
        %run_scoped3A = tpu.sem_alloc : memref<!tpu.dma_semaphore, #tpu.memory_space<semaphore_mem>>
        %dma_start3A_257 = arith.constant 0 : i32
        %dma_start3A_258 = arith.constant 0 : i32
        %dma_start3A_259 = tpu.memref_slice %arg7[%dma_start3A_257, %dma_start3A_258] : memref<128x128xf32, #tpu.memory_space<vmem>> -> memref<16x128xf32, #tpu.memory_space<vmem>>
        %dma_start3A_260 = arith.constant 0 : i32
        %dma_start3A_261 = tpu.memref_slice %arg12[%mul3A_244, %dma_start3A_260] : memref<10000x128xf32, #tpu.memory_space<vmem_shared>> -> memref<16x128xf32, #tpu.memory_space<vmem_shared>>
        %dma_start3A_262 = arith.constant 0 : i32
        %dma_start3A_263 = arith.constant 0 : i32
        %dma_start3A_264 = tpu.memref_slice %arg7[%dma_start3A_262, %dma_start3A_263] : memref<128x128xf32, #tpu.memory_space<vmem>> -> memref<16x128xf32, #tpu.memory_space<vmem>>
        %dma_start3A_265 = arith.constant 0 : i32
        %dma_start3A_266 = tpu.memref_slice %arg12[%mul3A_244, %dma_start3A_265] : memref<10000x128xf32, #tpu.memory_space<vmem_shared>> -> memref<16x128xf32, #tpu.memory_space<vmem_shared>>
        tpu.enqueue_dma source(%dma_start3A_266 : memref<16x128xf32, #tpu.memory_space<vmem_shared>>) target(%dma_start3A_264 : memref<16x128xf32, #tpu.memory_space<vmem>>) target_semaphore(%run_scoped3A : memref<!tpu.dma_semaphore, #tpu.memory_space<semaphore_mem>>)
        %dma_wait3A_267 = arith.constant 0 : i32
        %dma_wait3A_268 = arith.constant 0 : i32
        %dma_wait3A_269 = tpu.memref_slice %arg7[%dma_wait3A_267, %dma_wait3A_268] : memref<128x128xf32, #tpu.memory_space<vmem>> -> memref<16x128xf32, #tpu.memory_space<vmem>>
        %dma_wait3A_270 = arith.constant 0 : i32
        %dma_wait3A_271 = tpu.memref_slice %arg12[%mul3A_244, %dma_wait3A_270] : memref<10000x128xf32, #tpu.memory_space<vmem_shared>> -> memref<16x128xf32, #tpu.memory_space<vmem_shared>>
        %dma_wait3A_272 = arith.constant 0 : i32
        %dma_wait3A_273 = arith.constant 0 : i32
        %dma_wait3A_274 = tpu.memref_slice %arg7[%dma_wait3A_272, %dma_wait3A_273] : memref<128x128xf32, #tpu.memory_space<vmem>> -> memref<16x128xf32, #tpu.memory_space<vmem>>
        %dma_wait3A_275 = arith.constant 0 : i32
        %dma_wait3A_276 = tpu.memref_slice %arg12[%mul3A_244, %dma_wait3A_275] : memref<10000x128xf32, #tpu.memory_space<vmem_shared>> -> memref<16x128xf32, #tpu.memory_space<vmem_shared>>
        tpu.wait_dma2 semaphore(%run_scoped3A : memref<!tpu.dma_semaphore, #tpu.memory_space<semaphore_mem>>) src(%dma_wait3A_276 : memref<16x128xf32, #tpu.memory_space<vmem_shared>>) dst(%dma_wait3A_274 : memref<16x128xf32, #tpu.memory_space<vmem>>)
        tpu.yield
      }) : () -> ()
      %dma_start3A_245 = arith.constant 0 : i32
      %dma_start3A_246 = arith.constant 0 : i32
      %dma_start3A_247 = tpu.memref_slice %arg7[%dma_start3A_245, %dma_start3A_246] : memref<128x128xf32, #tpu.memory_space<vmem>> -> memref<16x128xf32, #tpu.memory_space<vmem>>
      %dma_start3A_248 = arith.constant 0 : i32
      %dma_start3A_249 = tpu.memref_slice %arg5[%arg0, %mul3A_104, %dma_start3A_248] : memref<2x10000x128xf32, #tpu.memory_space<hbm>> -> memref<1x16x128xf32, #tpu.memory_space<hbm>>
      %dma_start3A_250 = tpu.memref_squeeze %dma_start3A_249 : memref<1x16x128xf32, #tpu.memory_space<hbm>> -> memref<16x128xf32, #tpu.memory_space<hbm>>
      %dma_start3A_251 = arith.constant 0 : i32
      %dma_start3A_252 = tpu.memref_slice %arg5[%arg0, %mul3A_104, %dma_start3A_251] : memref<2x10000x128xf32, #tpu.memory_space<hbm>> -> memref<1x16x128xf32, #tpu.memory_space<hbm>>
      %dma_start3A_253 = tpu.memref_squeeze %dma_start3A_252 : memref<1x16x128xf32, #tpu.memory_space<hbm>> -> memref<16x128xf32, #tpu.memory_space<hbm>>
      %dma_start3A_254 = arith.constant 0 : i32
      %dma_start3A_255 = arith.constant 0 : i32
      %dma_start3A_256 = tpu.memref_slice %arg7[%dma_start3A_254, %dma_start3A_255] : memref<128x128xf32, #tpu.memory_space<vmem>> -> memref<16x128xf32, #tpu.memory_space<vmem>>
      tpu.enqueue_dma source(%dma_start3A_256 : memref<16x128xf32, #tpu.memory_space<vmem>>) target(%dma_start3A_253 : memref<16x128xf32, #tpu.memory_space<hbm>>) target_semaphore(%arg17 : memref<!tpu.dma_semaphore, #tpu.memory_space<semaphore_mem>>)
    } else {
    }
    %add3A_115 = arith.constant 32 : i32
    %add3A_116 = arith.addi %add3A_115, %arg1 : i32
    %mul3A_117 = arith.constant 128 : i32
    %mul3A_118 = arith.muli %add3A_116, %mul3A_117 : i32
    %mul3A_119 = arith.constant 128 : i32
    %mul3A_120 = arith.muli %add3A_116, %mul3A_119 : i32
    %lt3A_121 = arith.constant 78 : i32
    %lt3A_122 = arith.cmpi slt, %add3A_116, %lt3A_121 : i32
    %convert_element_type3A_123 = arith.extui %lt3A_122 : i1 to i32
    %cond3A_124 = arith.constant 0 : i32
    %cond3A_125 = arith.cmpi ne, %convert_element_type3A_123, %cond3A_124 : i32
    scf.if %cond3A_125 {
      %mul3A_243 = arith.constant 128 : i32
      %mul3A_244 = arith.muli %add3A_116, %mul3A_243 : i32
      "tpu.region"() ({
        %run_scoped3A = tpu.sem_alloc : memref<!tpu.dma_semaphore, #tpu.memory_space<semaphore_mem>>
        %dma_start3A_251 = arith.constant 0 : i32
        %dma_start3A_252 = tpu.memref_slice %arg12[%mul3A_244, %dma_start3A_251] : memref<10000x128xf32, #tpu.memory_space<vmem_shared>> -> memref<128x128xf32, #tpu.memory_space<vmem_shared>>
        %dma_start3A_253 = arith.constant 0 : i32
        %dma_start3A_254 = tpu.memref_slice %arg12[%mul3A_244, %dma_start3A_253] : memref<10000x128xf32, #tpu.memory_space<vmem_shared>> -> memref<128x128xf32, #tpu.memory_space<vmem_shared>>
        tpu.enqueue_dma source(%dma_start3A_254 : memref<128x128xf32, #tpu.memory_space<vmem_shared>>) target(%arg8 : memref<128x128xf32, #tpu.memory_space<vmem>>) target_semaphore(%run_scoped3A : memref<!tpu.dma_semaphore, #tpu.memory_space<semaphore_mem>>)
        %dma_wait3A_255 = arith.constant 0 : i32
        %dma_wait3A_256 = tpu.memref_slice %arg12[%mul3A_244, %dma_wait3A_255] : memref<10000x128xf32, #tpu.memory_space<vmem_shared>> -> memref<128x128xf32, #tpu.memory_space<vmem_shared>>
        %dma_wait3A_257 = arith.constant 0 : i32
        %dma_wait3A_258 = tpu.memref_slice %arg12[%mul3A_244, %dma_wait3A_257] : memref<10000x128xf32, #tpu.memory_space<vmem_shared>> -> memref<128x128xf32, #tpu.memory_space<vmem_shared>>
        tpu.wait_dma2 semaphore(%run_scoped3A : memref<!tpu.dma_semaphore, #tpu.memory_space<semaphore_mem>>) src(%dma_wait3A_258 : memref<128x128xf32, #tpu.memory_space<vmem_shared>>) dst(%arg8 : memref<128x128xf32, #tpu.memory_space<vmem>>)
        tpu.yield
      }) : () -> ()
      %dma_start3A_245 = arith.constant 0 : i32
      %dma_start3A_246 = tpu.memref_slice %arg5[%arg0, %mul3A_118, %dma_start3A_245] : memref<2x10000x128xf32, #tpu.memory_space<hbm>> -> memref<1x128x128xf32, #tpu.memory_space<hbm>>
      %dma_start3A_247 = tpu.memref_squeeze %dma_start3A_246 : memref<1x128x128xf32, #tpu.memory_space<hbm>> -> memref<128x128xf32, #tpu.memory_space<hbm>>
      %dma_start3A_248 = arith.constant 0 : i32
      %dma_start3A_249 = tpu.memref_slice %arg5[%arg0, %mul3A_118, %dma_start3A_248] : memref<2x10000x128xf32, #tpu.memory_space<hbm>> -> memref<1x128x128xf32, #tpu.memory_space<hbm>>
      %dma_start3A_250 = tpu.memref_squeeze %dma_start3A_249 : memref<1x128x128xf32, #tpu.memory_space<hbm>> -> memref<128x128xf32, #tpu.memory_space<hbm>>
      tpu.enqueue_dma source(%arg8 : memref<128x128xf32, #tpu.memory_space<vmem>>) target(%dma_start3A_250 : memref<128x128xf32, #tpu.memory_space<hbm>>) target_semaphore(%arg18 : memref<!tpu.dma_semaphore, #tpu.memory_space<semaphore_mem>>)
    } else {
    }
    %eq3A_126 = arith.constant 78 : i32
    %eq3A_127 = arith.cmpi eq, %add3A_116, %eq3A_126 : i32
    %convert_element_type3A_128 = arith.extui %eq3A_127 : i1 to i32
    %cond3A_129 = arith.constant 0 : i32
    %cond3A_130 = arith.cmpi ne, %convert_element_type3A_128, %cond3A_129 : i32
    scf.if %cond3A_130 {
      %mul3A_243 = arith.constant 128 : i32
      %mul3A_244 = arith.muli %add3A_116, %mul3A_243 : i32
      "tpu.region"() ({
        %run_scoped3A = tpu.sem_alloc : memref<!tpu.dma_semaphore, #tpu.memory_space<semaphore_mem>>
        %dma_start3A_257 = arith.constant 0 : i32
        %dma_start3A_258 = arith.constant 0 : i32
        %dma_start3A_259 = tpu.memref_slice %arg8[%dma_start3A_257, %dma_start3A_258] : memref<128x128xf32, #tpu.memory_space<vmem>> -> memref<16x128xf32, #tpu.memory_space<vmem>>
        %dma_start3A_260 = arith.constant 0 : i32
        %dma_start3A_261 = tpu.memref_slice %arg12[%mul3A_244, %dma_start3A_260] : memref<10000x128xf32, #tpu.memory_space<vmem_shared>> -> memref<16x128xf32, #tpu.memory_space<vmem_shared>>
        %dma_start3A_262 = arith.constant 0 : i32
        %dma_start3A_263 = arith.constant 0 : i32
        %dma_start3A_264 = tpu.memref_slice %arg8[%dma_start3A_262, %dma_start3A_263] : memref<128x128xf32, #tpu.memory_space<vmem>> -> memref<16x128xf32, #tpu.memory_space<vmem>>
        %dma_start3A_265 = arith.constant 0 : i32
        %dma_start3A_266 = tpu.memref_slice %arg12[%mul3A_244, %dma_start3A_265] : memref<10000x128xf32, #tpu.memory_space<vmem_shared>> -> memref<16x128xf32, #tpu.memory_space<vmem_shared>>
        tpu.enqueue_dma source(%dma_start3A_266 : memref<16x128xf32, #tpu.memory_space<vmem_shared>>) target(%dma_start3A_264 : memref<16x128xf32, #tpu.memory_space<vmem>>) target_semaphore(%run_scoped3A : memref<!tpu.dma_semaphore, #tpu.memory_space<semaphore_mem>>)
        %dma_wait3A_267 = arith.constant 0 : i32
        %dma_wait3A_268 = arith.constant 0 : i32
        %dma_wait3A_269 = tpu.memref_slice %arg8[%dma_wait3A_267, %dma_wait3A_268] : memref<128x128xf32, #tpu.memory_space<vmem>> -> memref<16x128xf32, #tpu.memory_space<vmem>>
        %dma_wait3A_270 = arith.constant 0 : i32
        %dma_wait3A_271 = tpu.memref_slice %arg12[%mul3A_244, %dma_wait3A_270] : memref<10000x128xf32, #tpu.memory_space<vmem_shared>> -> memref<16x128xf32, #tpu.memory_space<vmem_shared>>
        %dma_wait3A_272 = arith.constant 0 : i32
        %dma_wait3A_273 = arith.constant 0 : i32
        %dma_wait3A_274 = tpu.memref_slice %arg8[%dma_wait3A_272, %dma_wait3A_273] : memref<128x128xf32, #tpu.memory_space<vmem>> -> memref<16x128xf32, #tpu.memory_space<vmem>>
        %dma_wait3A_275 = arith.constant 0 : i32
        %dma_wait3A_276 = tpu.memref_slice %arg12[%mul3A_244, %dma_wait3A_275] : memref<10000x128xf32, #tpu.memory_space<vmem_shared>> -> memref<16x128xf32, #tpu.memory_space<vmem_shared>>
        tpu.wait_dma2 semaphore(%run_scoped3A : memref<!tpu.dma_semaphore, #tpu.memory_space<semaphore_mem>>) src(%dma_wait3A_276 : memref<16x128xf32, #tpu.memory_space<vmem_shared>>) dst(%dma_wait3A_274 : memref<16x128xf32, #tpu.memory_space<vmem>>)
        tpu.yield
      }) : () -> ()
      %dma_start3A_245 = arith.constant 0 : i32
      %dma_start3A_246 = arith.constant 0 : i32
      %dma_start3A_247 = tpu.memref_slice %arg8[%dma_start3A_245, %dma_start3A_246] : memref<128x128xf32, #tpu.memory_space<vmem>> -> memref<16x128xf32, #tpu.memory_space<vmem>>
      %dma_start3A_248 = arith.constant 0 : i32
      %dma_start3A_249 = tpu.memref_slice %arg5[%arg0, %mul3A_120, %dma_start3A_248] : memref<2x10000x128xf32, #tpu.memory_space<hbm>> -> memref<1x16x128xf32, #tpu.memory_space<hbm>>
      %dma_start3A_250 = tpu.memref_squeeze %dma_start3A_249 : memref<1x16x128xf32, #tpu.memory_space<hbm>> -> memref<16x128xf32, #tpu.memory_space<hbm>>
      %dma_start3A_251 = arith.constant 0 : i32
      %dma_start3A_252 = tpu.memref_slice %arg5[%arg0, %mul3A_120, %dma_start3A_251] : memref<2x10000x128xf32, #tpu.memory_space<hbm>> -> memref<1x16x128xf32, #tpu.memory_space<hbm>>
      %dma_start3A_253 = tpu.memref_squeeze %dma_start3A_252 : memref<1x16x128xf32, #tpu.memory_space<hbm>> -> memref<16x128xf32, #tpu.memory_space<hbm>>
      %dma_start3A_254 = arith.constant 0 : i32
      %dma_start3A_255 = arith.constant 0 : i32
      %dma_start3A_256 = tpu.memref_slice %arg8[%dma_start3A_254, %dma_start3A_255] : memref<128x128xf32, #tpu.memory_space<vmem>> -> memref<16x128xf32, #tpu.memory_space<vmem>>
      tpu.enqueue_dma source(%dma_start3A_256 : memref<16x128xf32, #tpu.memory_space<vmem>>) target(%dma_start3A_253 : memref<16x128xf32, #tpu.memory_space<hbm>>) target_semaphore(%arg18 : memref<!tpu.dma_semaphore, #tpu.memory_space<semaphore_mem>>)
    } else {
    }
    %add3A_131 = arith.constant 0 : i32
    %add3A_132 = arith.addi %add3A_131, %arg1 : i32
    %mul3A_133 = arith.constant 128 : i32
    %mul3A_134 = arith.muli %add3A_132, %mul3A_133 : i32
    %mul3A_135 = arith.constant 128 : i32
    %mul3A_136 = arith.muli %add3A_132, %mul3A_135 : i32
    %lt3A_137 = arith.constant 78 : i32
    %lt3A_138 = arith.cmpi slt, %add3A_132, %lt3A_137 : i32
    %convert_element_type3A_139 = arith.extui %lt3A_138 : i1 to i32
    %cond3A_140 = arith.constant 0 : i32
    %cond3A_141 = arith.cmpi ne, %convert_element_type3A_139, %cond3A_140 : i32
    scf.if %cond3A_141 {
      %dma_wait3A_243 = arith.constant 0 : i32
      %dma_wait3A_244 = tpu.memref_slice %arg5[%arg0, %mul3A_134, %dma_wait3A_243] : memref<2x10000x128xf32, #tpu.memory_space<hbm>> -> memref<1x128x128xf32, #tpu.memory_space<hbm>>
      %dma_wait3A_245 = tpu.memref_squeeze %dma_wait3A_244 : memref<1x128x128xf32, #tpu.memory_space<hbm>> -> memref<128x128xf32, #tpu.memory_space<hbm>>
      %dma_wait3A_246 = arith.constant 0 : i32
      %dma_wait3A_247 = tpu.memref_slice %arg5[%arg0, %mul3A_134, %dma_wait3A_246] : memref<2x10000x128xf32, #tpu.memory_space<hbm>> -> memref<1x128x128xf32, #tpu.memory_space<hbm>>
      %dma_wait3A_248 = tpu.memref_squeeze %dma_wait3A_247 : memref<1x128x128xf32, #tpu.memory_space<hbm>> -> memref<128x128xf32, #tpu.memory_space<hbm>>
      tpu.wait_dma2 semaphore(%arg16 : memref<!tpu.dma_semaphore, #tpu.memory_space<semaphore_mem>>) src(%arg6 : memref<128x128xf32, #tpu.memory_space<vmem>>) dst(%dma_wait3A_248 : memref<128x128xf32, #tpu.memory_space<hbm>>)
    } else {
    }
    %eq3A_142 = arith.constant 78 : i32
    %eq3A_143 = arith.cmpi eq, %add3A_132, %eq3A_142 : i32
    %convert_element_type3A_144 = arith.extui %eq3A_143 : i1 to i32
    %cond3A_145 = arith.constant 0 : i32
    %cond3A_146 = arith.cmpi ne, %convert_element_type3A_144, %cond3A_145 : i32
    scf.if %cond3A_146 {
      %dma_wait3A_243 = arith.constant 0 : i32
      %dma_wait3A_244 = arith.constant 0 : i32
      %dma_wait3A_245 = tpu.memref_slice %arg6[%dma_wait3A_243, %dma_wait3A_244] : memref<128x128xf32, #tpu.memory_space<vmem>> -> memref<16x128xf32, #tpu.memory_space<vmem>>
      %dma_wait3A_246 = arith.constant 0 : i32
      %dma_wait3A_247 = tpu.memref_slice %arg5[%arg0, %mul3A_136, %dma_wait3A_246] : memref<2x10000x128xf32, #tpu.memory_space<hbm>> -> memref<1x16x128xf32, #tpu.memory_space<hbm>>
      %dma_wait3A_248 = tpu.memref_squeeze %dma_wait3A_247 : memref<1x16x128xf32, #tpu.memory_space<hbm>> -> memref<16x128xf32, #tpu.memory_space<hbm>>
      %dma_wait3A_249 = arith.constant 0 : i32
      %dma_wait3A_250 = tpu.memref_slice %arg5[%arg0, %mul3A_136, %dma_wait3A_249] : memref<2x10000x128xf32, #tpu.memory_space<hbm>> -> memref<1x16x128xf32, #tpu.memory_space<hbm>>
      %dma_wait3A_251 = tpu.memref_squeeze %dma_wait3A_250 : memref<1x16x128xf32, #tpu.memory_space<hbm>> -> memref<16x128xf32, #tpu.memory_space<hbm>>
      %dma_wait3A_252 = arith.constant 0 : i32
      %dma_wait3A_253 = arith.constant 0 : i32
      %dma_wait3A_254 = tpu.memref_slice %arg6[%dma_wait3A_252, %dma_wait3A_253] : memref<128x128xf32, #tpu.memory_space<vmem>> -> memref<16x128xf32, #tpu.memory_space<vmem>>
      tpu.wait_dma2 semaphore(%arg16 : memref<!tpu.dma_semaphore, #tpu.memory_space<semaphore_mem>>) src(%dma_wait3A_254 : memref<16x128xf32, #tpu.memory_space<vmem>>) dst(%dma_wait3A_251 : memref<16x128xf32, #tpu.memory_space<hbm>>)
    } else {
    }
    %add3A_147 = arith.constant 48 : i32
    %add3A_148 = arith.addi %add3A_147, %arg1 : i32
    %mul3A_149 = arith.constant 128 : i32
    %mul3A_150 = arith.muli %add3A_148, %mul3A_149 : i32
    %mul3A_151 = arith.constant 128 : i32
    %mul3A_152 = arith.muli %add3A_148, %mul3A_151 : i32
    %lt3A_153 = arith.constant 78 : i32
    %lt3A_154 = arith.cmpi slt, %add3A_148, %lt3A_153 : i32
    %convert_element_type3A_155 = arith.extui %lt3A_154 : i1 to i32
    %cond3A_156 = arith.constant 0 : i32
    %cond3A_157 = arith.cmpi ne, %convert_element_type3A_155, %cond3A_156 : i32
    scf.if %cond3A_157 {
      %mul3A_243 = arith.constant 128 : i32
      %mul3A_244 = arith.muli %add3A_148, %mul3A_243 : i32
      "tpu.region"() ({
        %run_scoped3A = tpu.sem_alloc : memref<!tpu.dma_semaphore, #tpu.memory_space<semaphore_mem>>
        %dma_start3A_251 = arith.constant 0 : i32
        %dma_start3A_252 = tpu.memref_slice %arg12[%mul3A_244, %dma_start3A_251] : memref<10000x128xf32, #tpu.memory_space<vmem_shared>> -> memref<128x128xf32, #tpu.memory_space<vmem_shared>>
        %dma_start3A_253 = arith.constant 0 : i32
        %dma_start3A_254 = tpu.memref_slice %arg12[%mul3A_244, %dma_start3A_253] : memref<10000x128xf32, #tpu.memory_space<vmem_shared>> -> memref<128x128xf32, #tpu.memory_space<vmem_shared>>
        tpu.enqueue_dma source(%dma_start3A_254 : memref<128x128xf32, #tpu.memory_space<vmem_shared>>) target(%arg6 : memref<128x128xf32, #tpu.memory_space<vmem>>) target_semaphore(%run_scoped3A : memref<!tpu.dma_semaphore, #tpu.memory_space<semaphore_mem>>)
        %dma_wait3A_255 = arith.constant 0 : i32
        %dma_wait3A_256 = tpu.memref_slice %arg12[%mul3A_244, %dma_wait3A_255] : memref<10000x128xf32, #tpu.memory_space<vmem_shared>> -> memref<128x128xf32, #tpu.memory_space<vmem_shared>>
        %dma_wait3A_257 = arith.constant 0 : i32
        %dma_wait3A_258 = tpu.memref_slice %arg12[%mul3A_244, %dma_wait3A_257] : memref<10000x128xf32, #tpu.memory_space<vmem_shared>> -> memref<128x128xf32, #tpu.memory_space<vmem_shared>>
        tpu.wait_dma2 semaphore(%run_scoped3A : memref<!tpu.dma_semaphore, #tpu.memory_space<semaphore_mem>>) src(%dma_wait3A_258 : memref<128x128xf32, #tpu.memory_space<vmem_shared>>) dst(%arg6 : memref<128x128xf32, #tpu.memory_space<vmem>>)
        tpu.yield
      }) : () -> ()
      %dma_start3A_245 = arith.constant 0 : i32
      %dma_start3A_246 = tpu.memref_slice %arg5[%arg0, %mul3A_150, %dma_start3A_245] : memref<2x10000x128xf32, #tpu.memory_space<hbm>> -> memref<1x128x128xf32, #tpu.memory_space<hbm>>
      %dma_start3A_247 = tpu.memref_squeeze %dma_start3A_246 : memref<1x128x128xf32, #tpu.memory_space<hbm>> -> memref<128x128xf32, #tpu.memory_space<hbm>>
      %dma_start3A_248 = arith.constant 0 : i32
      %dma_start3A_249 = tpu.memref_slice %arg5[%arg0, %mul3A_150, %dma_start3A_248] : memref<2x10000x128xf32, #tpu.memory_space<hbm>> -> memref<1x128x128xf32, #tpu.memory_space<hbm>>
      %dma_start3A_250 = tpu.memref_squeeze %dma_start3A_249 : memref<1x128x128xf32, #tpu.memory_space<hbm>> -> memref<128x128xf32, #tpu.memory_space<hbm>>
      tpu.enqueue_dma source(%arg6 : memref<128x128xf32, #tpu.memory_space<vmem>>) target(%dma_start3A_250 : memref<128x128xf32, #tpu.memory_space<hbm>>) target_semaphore(%arg16 : memref<!tpu.dma_semaphore, #tpu.memory_space<semaphore_mem>>)
    } else {
    }
    %eq3A_158 = arith.constant 78 : i32
    %eq3A_159 = arith.cmpi eq, %add3A_148, %eq3A_158 : i32
    %convert_element_type3A_160 = arith.extui %eq3A_159 : i1 to i32
    %cond3A_161 = arith.constant 0 : i32
    %cond3A_162 = arith.cmpi ne, %convert_element_type3A_160, %cond3A_161 : i32
    scf.if %cond3A_162 {
      %mul3A_243 = arith.constant 128 : i32
      %mul3A_244 = arith.muli %add3A_148, %mul3A_243 : i32
      "tpu.region"() ({
        %run_scoped3A = tpu.sem_alloc : memref<!tpu.dma_semaphore, #tpu.memory_space<semaphore_mem>>
        %dma_start3A_257 = arith.constant 0 : i32
        %dma_start3A_258 = arith.constant 0 : i32
        %dma_start3A_259 = tpu.memref_slice %arg6[%dma_start3A_257, %dma_start3A_258] : memref<128x128xf32, #tpu.memory_space<vmem>> -> memref<16x128xf32, #tpu.memory_space<vmem>>
        %dma_start3A_260 = arith.constant 0 : i32
        %dma_start3A_261 = tpu.memref_slice %arg12[%mul3A_244, %dma_start3A_260] : memref<10000x128xf32, #tpu.memory_space<vmem_shared>> -> memref<16x128xf32, #tpu.memory_space<vmem_shared>>
        %dma_start3A_262 = arith.constant 0 : i32
        %dma_start3A_263 = arith.constant 0 : i32
        %dma_start3A_264 = tpu.memref_slice %arg6[%dma_start3A_262, %dma_start3A_263] : memref<128x128xf32, #tpu.memory_space<vmem>> -> memref<16x128xf32, #tpu.memory_space<vmem>>
        %dma_start3A_265 = arith.constant 0 : i32
        %dma_start3A_266 = tpu.memref_slice %arg12[%mul3A_244, %dma_start3A_265] : memref<10000x128xf32, #tpu.memory_space<vmem_shared>> -> memref<16x128xf32, #tpu.memory_space<vmem_shared>>
        tpu.enqueue_dma source(%dma_start3A_266 : memref<16x128xf32, #tpu.memory_space<vmem_shared>>) target(%dma_start3A_264 : memref<16x128xf32, #tpu.memory_space<vmem>>) target_semaphore(%run_scoped3A : memref<!tpu.dma_semaphore, #tpu.memory_space<semaphore_mem>>)
        %dma_wait3A_267 = arith.constant 0 : i32
        %dma_wait3A_268 = arith.constant 0 : i32
        %dma_wait3A_269 = tpu.memref_slice %arg6[%dma_wait3A_267, %dma_wait3A_268] : memref<128x128xf32, #tpu.memory_space<vmem>> -> memref<16x128xf32, #tpu.memory_space<vmem>>
        %dma_wait3A_270 = arith.constant 0 : i32
        %dma_wait3A_271 = tpu.memref_slice %arg12[%mul3A_244, %dma_wait3A_270] : memref<10000x128xf32, #tpu.memory_space<vmem_shared>> -> memref<16x128xf32, #tpu.memory_space<vmem_shared>>
        %dma_wait3A_272 = arith.constant 0 : i32
        %dma_wait3A_273 = arith.constant 0 : i32
        %dma_wait3A_274 = tpu.memref_slice %arg6[%dma_wait3A_272, %dma_wait3A_273] : memref<128x128xf32, #tpu.memory_space<vmem>> -> memref<16x128xf32, #tpu.memory_space<vmem>>
        %dma_wait3A_275 = arith.constant 0 : i32
        %dma_wait3A_276 = tpu.memref_slice %arg12[%mul3A_244, %dma_wait3A_275] : memref<10000x128xf32, #tpu.memory_space<vmem_shared>> -> memref<16x128xf32, #tpu.memory_space<vmem_shared>>
        tpu.wait_dma2 semaphore(%run_scoped3A : memref<!tpu.dma_semaphore, #tpu.memory_space<semaphore_mem>>) src(%dma_wait3A_276 : memref<16x128xf32, #tpu.memory_space<vmem_shared>>) dst(%dma_wait3A_274 : memref<16x128xf32, #tpu.memory_space<vmem>>)
        tpu.yield
      }) : () -> ()
      %dma_start3A_245 = arith.constant 0 : i32
      %dma_start3A_246 = arith.constant 0 : i32
      %dma_start3A_247 = tpu.memref_slice %arg6[%dma_start3A_245, %dma_start3A_246] : memref<128x128xf32, #tpu.memory_space<vmem>> -> memref<16x128xf32, #tpu.memory_space<vmem>>
      %dma_start3A_248 = arith.constant 0 : i32
      %dma_start3A_249 = tpu.memref_slice %arg5[%arg0, %mul3A_152, %dma_start3A_248] : memref<2x10000x128xf32, #tpu.memory_space<hbm>> -> memref<1x16x128xf32, #tpu.memory_space<hbm>>
      %dma_start3A_250 = tpu.memref_squeeze %dma_start3A_249 : memref<1x16x128xf32, #tpu.memory_space<hbm>> -> memref<16x128xf32, #tpu.memory_space<hbm>>
      %dma_start3A_251 = arith.constant 0 : i32
      %dma_start3A_252 = tpu.memref_slice %arg5[%arg0, %mul3A_152, %dma_start3A_251] : memref<2x10000x128xf32, #tpu.memory_space<hbm>> -> memref<1x16x128xf32, #tpu.memory_space<hbm>>
      %dma_start3A_253 = tpu.memref_squeeze %dma_start3A_252 : memref<1x16x128xf32, #tpu.memory_space<hbm>> -> memref<16x128xf32, #tpu.memory_space<hbm>>
      %dma_start3A_254 = arith.constant 0 : i32
      %dma_start3A_255 = arith.constant 0 : i32
      %dma_start3A_256 = tpu.memref_slice %arg6[%dma_start3A_254, %dma_start3A_255] : memref<128x128xf32, #tpu.memory_space<vmem>> -> memref<16x128xf32, #tpu.memory_space<vmem>>
      tpu.enqueue_dma source(%dma_start3A_256 : memref<16x128xf32, #tpu.memory_space<vmem>>) target(%dma_start3A_253 : memref<16x128xf32, #tpu.memory_space<hbm>>) target_semaphore(%arg16 : memref<!tpu.dma_semaphore, #tpu.memory_space<semaphore_mem>>)
    } else {
    }
    %add3A_163 = arith.constant 16 : i32
    %add3A_164 = arith.addi %add3A_163, %arg1 : i32
    %mul3A_165 = arith.constant 128 : i32
    %mul3A_166 = arith.muli %add3A_164, %mul3A_165 : i32
    %mul3A_167 = arith.constant 128 : i32
    %mul3A_168 = arith.muli %add3A_164, %mul3A_167 : i32
    %lt3A_169 = arith.constant 78 : i32
    %lt3A_170 = arith.cmpi slt, %add3A_164, %lt3A_169 : i32
    %convert_element_type3A_171 = arith.extui %lt3A_170 : i1 to i32
    %cond3A_172 = arith.constant 0 : i32
    %cond3A_173 = arith.cmpi ne, %convert_element_type3A_171, %cond3A_172 : i32
    scf.if %cond3A_173 {
      %dma_wait3A_243 = arith.constant 0 : i32
      %dma_wait3A_244 = tpu.memref_slice %arg5[%arg0, %mul3A_166, %dma_wait3A_243] : memref<2x10000x128xf32, #tpu.memory_space<hbm>> -> memref<1x128x128xf32, #tpu.memory_space<hbm>>
      %dma_wait3A_245 = tpu.memref_squeeze %dma_wait3A_244 : memref<1x128x128xf32, #tpu.memory_space<hbm>> -> memref<128x128xf32, #tpu.memory_space<hbm>>
      %dma_wait3A_246 = arith.constant 0 : i32
      %dma_wait3A_247 = tpu.memref_slice %arg5[%arg0, %mul3A_166, %dma_wait3A_246] : memref<2x10000x128xf32, #tpu.memory_space<hbm>> -> memref<1x128x128xf32, #tpu.memory_space<hbm>>
      %dma_wait3A_248 = tpu.memref_squeeze %dma_wait3A_247 : memref<1x128x128xf32, #tpu.memory_space<hbm>> -> memref<128x128xf32, #tpu.memory_space<hbm>>
      tpu.wait_dma2 semaphore(%arg17 : memref<!tpu.dma_semaphore, #tpu.memory_space<semaphore_mem>>) src(%arg7 : memref<128x128xf32, #tpu.memory_space<vmem>>) dst(%dma_wait3A_248 : memref<128x128xf32, #tpu.memory_space<hbm>>)
    } else {
    }
    %eq3A_174 = arith.constant 78 : i32
    %eq3A_175 = arith.cmpi eq, %add3A_164, %eq3A_174 : i32
    %convert_element_type3A_176 = arith.extui %eq3A_175 : i1 to i32
    %cond3A_177 = arith.constant 0 : i32
    %cond3A_178 = arith.cmpi ne, %convert_element_type3A_176, %cond3A_177 : i32
    scf.if %cond3A_178 {
      %dma_wait3A_243 = arith.constant 0 : i32
      %dma_wait3A_244 = arith.constant 0 : i32
      %dma_wait3A_245 = tpu.memref_slice %arg7[%dma_wait3A_243, %dma_wait3A_244] : memref<128x128xf32, #tpu.memory_space<vmem>> -> memref<16x128xf32, #tpu.memory_space<vmem>>
      %dma_wait3A_246 = arith.constant 0 : i32
      %dma_wait3A_247 = tpu.memref_slice %arg5[%arg0, %mul3A_168, %dma_wait3A_246] : memref<2x10000x128xf32, #tpu.memory_space<hbm>> -> memref<1x16x128xf32, #tpu.memory_space<hbm>>
      %dma_wait3A_248 = tpu.memref_squeeze %dma_wait3A_247 : memref<1x16x128xf32, #tpu.memory_space<hbm>> -> memref<16x128xf32, #tpu.memory_space<hbm>>
      %dma_wait3A_249 = arith.constant 0 : i32
      %dma_wait3A_250 = tpu.memref_slice %arg5[%arg0, %mul3A_168, %dma_wait3A_249] : memref<2x10000x128xf32, #tpu.memory_space<hbm>> -> memref<1x16x128xf32, #tpu.memory_space<hbm>>
      %dma_wait3A_251 = tpu.memref_squeeze %dma_wait3A_250 : memref<1x16x128xf32, #tpu.memory_space<hbm>> -> memref<16x128xf32, #tpu.memory_space<hbm>>
      %dma_wait3A_252 = arith.constant 0 : i32
      %dma_wait3A_253 = arith.constant 0 : i32
      %dma_wait3A_254 = tpu.memref_slice %arg7[%dma_wait3A_252, %dma_wait3A_253] : memref<128x128xf32, #tpu.memory_space<vmem>> -> memref<16x128xf32, #tpu.memory_space<vmem>>
      tpu.wait_dma2 semaphore(%arg17 : memref<!tpu.dma_semaphore, #tpu.memory_space<semaphore_mem>>) src(%dma_wait3A_254 : memref<16x128xf32, #tpu.memory_space<vmem>>) dst(%dma_wait3A_251 : memref<16x128xf32, #tpu.memory_space<hbm>>)
    } else {
    }
    %add3A_179 = arith.constant 64 : i32
    %add3A_180 = arith.addi %add3A_179, %arg1 : i32
    %mul3A_181 = arith.constant 128 : i32
    %mul3A_182 = arith.muli %add3A_180, %mul3A_181 : i32
    %mul3A_183 = arith.constant 128 : i32
    %mul3A_184 = arith.muli %add3A_180, %mul3A_183 : i32
    %lt3A_185 = arith.constant 78 : i32
    %lt3A_186 = arith.cmpi slt, %add3A_180, %lt3A_185 : i32
    %convert_element_type3A_187 = arith.extui %lt3A_186 : i1 to i32
    %cond3A_188 = arith.constant 0 : i32
    %cond3A_189 = arith.cmpi ne, %convert_element_type3A_187, %cond3A_188 : i32
    scf.if %cond3A_189 {
      %mul3A_243 = arith.constant 128 : i32
      %mul3A_244 = arith.muli %add3A_180, %mul3A_243 : i32
      "tpu.region"() ({
        %run_scoped3A = tpu.sem_alloc : memref<!tpu.dma_semaphore, #tpu.memory_space<semaphore_mem>>
        %dma_start3A_251 = arith.constant 0 : i32
        %dma_start3A_252 = tpu.memref_slice %arg12[%mul3A_244, %dma_start3A_251] : memref<10000x128xf32, #tpu.memory_space<vmem_shared>> -> memref<128x128xf32, #tpu.memory_space<vmem_shared>>
        %dma_start3A_253 = arith.constant 0 : i32
        %dma_start3A_254 = tpu.memref_slice %arg12[%mul3A_244, %dma_start3A_253] : memref<10000x128xf32, #tpu.memory_space<vmem_shared>> -> memref<128x128xf32, #tpu.memory_space<vmem_shared>>
        tpu.enqueue_dma source(%dma_start3A_254 : memref<128x128xf32, #tpu.memory_space<vmem_shared>>) target(%arg7 : memref<128x128xf32, #tpu.memory_space<vmem>>) target_semaphore(%run_scoped3A : memref<!tpu.dma_semaphore, #tpu.memory_space<semaphore_mem>>)
        %dma_wait3A_255 = arith.constant 0 : i32
        %dma_wait3A_256 = tpu.memref_slice %arg12[%mul3A_244, %dma_wait3A_255] : memref<10000x128xf32, #tpu.memory_space<vmem_shared>> -> memref<128x128xf32, #tpu.memory_space<vmem_shared>>
        %dma_wait3A_257 = arith.constant 0 : i32
        %dma_wait3A_258 = tpu.memref_slice %arg12[%mul3A_244, %dma_wait3A_257] : memref<10000x128xf32, #tpu.memory_space<vmem_shared>> -> memref<128x128xf32, #tpu.memory_space<vmem_shared>>
        tpu.wait_dma2 semaphore(%run_scoped3A : memref<!tpu.dma_semaphore, #tpu.memory_space<semaphore_mem>>) src(%dma_wait3A_258 : memref<128x128xf32, #tpu.memory_space<vmem_shared>>) dst(%arg7 : memref<128x128xf32, #tpu.memory_space<vmem>>)
        tpu.yield
      }) : () -> ()
      %dma_start3A_245 = arith.constant 0 : i32
      %dma_start3A_246 = tpu.memref_slice %arg5[%arg0, %mul3A_182, %dma_start3A_245] : memref<2x10000x128xf32, #tpu.memory_space<hbm>> -> memref<1x128x128xf32, #tpu.memory_space<hbm>>
      %dma_start3A_247 = tpu.memref_squeeze %dma_start3A_246 : memref<1x128x128xf32, #tpu.memory_space<hbm>> -> memref<128x128xf32, #tpu.memory_space<hbm>>
      %dma_start3A_248 = arith.constant 0 : i32
      %dma_start3A_249 = tpu.memref_slice %arg5[%arg0, %mul3A_182, %dma_start3A_248] : memref<2x10000x128xf32, #tpu.memory_space<hbm>> -> memref<1x128x128xf32, #tpu.memory_space<hbm>>
      %dma_start3A_250 = tpu.memref_squeeze %dma_start3A_249 : memref<1x128x128xf32, #tpu.memory_space<hbm>> -> memref<128x128xf32, #tpu.memory_space<hbm>>
      tpu.enqueue_dma source(%arg7 : memref<128x128xf32, #tpu.memory_space<vmem>>) target(%dma_start3A_250 : memref<128x128xf32, #tpu.memory_space<hbm>>) target_semaphore(%arg17 : memref<!tpu.dma_semaphore, #tpu.memory_space<semaphore_mem>>)
    } else {
    }
    %eq3A_190 = arith.constant 78 : i32
    %eq3A_191 = arith.cmpi eq, %add3A_180, %eq3A_190 : i32
    %convert_element_type3A_192 = arith.extui %eq3A_191 : i1 to i32
    %cond3A_193 = arith.constant 0 : i32
    %cond3A_194 = arith.cmpi ne, %convert_element_type3A_192, %cond3A_193 : i32
    scf.if %cond3A_194 {
      %mul3A_243 = arith.constant 128 : i32
      %mul3A_244 = arith.muli %add3A_180, %mul3A_243 : i32
      "tpu.region"() ({
        %run_scoped3A = tpu.sem_alloc : memref<!tpu.dma_semaphore, #tpu.memory_space<semaphore_mem>>
        %dma_start3A_257 = arith.constant 0 : i32
        %dma_start3A_258 = arith.constant 0 : i32
        %dma_start3A_259 = tpu.memref_slice %arg7[%dma_start3A_257, %dma_start3A_258] : memref<128x128xf32, #tpu.memory_space<vmem>> -> memref<16x128xf32, #tpu.memory_space<vmem>>
        %dma_start3A_260 = arith.constant 0 : i32
        %dma_start3A_261 = tpu.memref_slice %arg12[%mul3A_244, %dma_start3A_260] : memref<10000x128xf32, #tpu.memory_space<vmem_shared>> -> memref<16x128xf32, #tpu.memory_space<vmem_shared>>
        %dma_start3A_262 = arith.constant 0 : i32
        %dma_start3A_263 = arith.constant 0 : i32
        %dma_start3A_264 = tpu.memref_slice %arg7[%dma_start3A_262, %dma_start3A_263] : memref<128x128xf32, #tpu.memory_space<vmem>> -> memref<16x128xf32, #tpu.memory_space<vmem>>
        %dma_start3A_265 = arith.constant 0 : i32
        %dma_start3A_266 = tpu.memref_slice %arg12[%mul3A_244, %dma_start3A_265] : memref<10000x128xf32, #tpu.memory_space<vmem_shared>> -> memref<16x128xf32, #tpu.memory_space<vmem_shared>>
        tpu.enqueue_dma source(%dma_start3A_266 : memref<16x128xf32, #tpu.memory_space<vmem_shared>>) target(%dma_start3A_264 : memref<16x128xf32, #tpu.memory_space<vmem>>) target_semaphore(%run_scoped3A : memref<!tpu.dma_semaphore, #tpu.memory_space<semaphore_mem>>)
        %dma_wait3A_267 = arith.constant 0 : i32
        %dma_wait3A_268 = arith.constant 0 : i32
        %dma_wait3A_269 = tpu.memref_slice %arg7[%dma_wait3A_267, %dma_wait3A_268] : memref<128x128xf32, #tpu.memory_space<vmem>> -> memref<16x128xf32, #tpu.memory_space<vmem>>
        %dma_wait3A_270 = arith.constant 0 : i32
        %dma_wait3A_271 = tpu.memref_slice %arg12[%mul3A_244, %dma_wait3A_270] : memref<10000x128xf32, #tpu.memory_space<vmem_shared>> -> memref<16x128xf32, #tpu.memory_space<vmem_shared>>
        %dma_wait3A_272 = arith.constant 0 : i32
        %dma_wait3A_273 = arith.constant 0 : i32
        %dma_wait3A_274 = tpu.memref_slice %arg7[%dma_wait3A_272, %dma_wait3A_273] : memref<128x128xf32, #tpu.memory_space<vmem>> -> memref<16x128xf32, #tpu.memory_space<vmem>>
        %dma_wait3A_275 = arith.constant 0 : i32
        %dma_wait3A_276 = tpu.memref_slice %arg12[%mul3A_244, %dma_wait3A_275] : memref<10000x128xf32, #tpu.memory_space<vmem_shared>> -> memref<16x128xf32, #tpu.memory_space<vmem_shared>>
        tpu.wait_dma2 semaphore(%run_scoped3A : memref<!tpu.dma_semaphore, #tpu.memory_space<semaphore_mem>>) src(%dma_wait3A_276 : memref<16x128xf32, #tpu.memory_space<vmem_shared>>) dst(%dma_wait3A_274 : memref<16x128xf32, #tpu.memory_space<vmem>>)
        tpu.yield
      }) : () -> ()
      %dma_start3A_245 = arith.constant 0 : i32
      %dma_start3A_246 = arith.constant 0 : i32
      %dma_start3A_247 = tpu.memref_slice %arg7[%dma_start3A_245, %dma_start3A_246] : memref<128x128xf32, #tpu.memory_space<vmem>> -> memref<16x128xf32, #tpu.memory_space<vmem>>
      %dma_start3A_248 = arith.constant 0 : i32
      %dma_start3A_249 = tpu.memref_slice %arg5[%arg0, %mul3A_184, %dma_start3A_248] : memref<2x10000x128xf32, #tpu.memory_space<hbm>> -> memref<1x16x128xf32, #tpu.memory_space<hbm>>
      %dma_start3A_250 = tpu.memref_squeeze %dma_start3A_249 : memref<1x16x128xf32, #tpu.memory_space<hbm>> -> memref<16x128xf32, #tpu.memory_space<hbm>>
      %dma_start3A_251 = arith.constant 0 : i32
      %dma_start3A_252 = tpu.memref_slice %arg5[%arg0, %mul3A_184, %dma_start3A_251] : memref<2x10000x128xf32, #tpu.memory_space<hbm>> -> memref<1x16x128xf32, #tpu.memory_space<hbm>>
      %dma_start3A_253 = tpu.memref_squeeze %dma_start3A_252 : memref<1x16x128xf32, #tpu.memory_space<hbm>> -> memref<16x128xf32, #tpu.memory_space<hbm>>
      %dma_start3A_254 = arith.constant 0 : i32
      %dma_start3A_255 = arith.constant 0 : i32
      %dma_start3A_256 = tpu.memref_slice %arg7[%dma_start3A_254, %dma_start3A_255] : memref<128x128xf32, #tpu.memory_space<vmem>> -> memref<16x128xf32, #tpu.memory_space<vmem>>
      tpu.enqueue_dma source(%dma_start3A_256 : memref<16x128xf32, #tpu.memory_space<vmem>>) target(%dma_start3A_253 : memref<16x128xf32, #tpu.memory_space<hbm>>) target_semaphore(%arg17 : memref<!tpu.dma_semaphore, #tpu.memory_space<semaphore_mem>>)
    } else {
    }
    %add3A_195 = arith.constant 32 : i32
    %add3A_196 = arith.addi %add3A_195, %arg1 : i32
    %mul3A_197 = arith.constant 128 : i32
    %mul3A_198 = arith.muli %add3A_196, %mul3A_197 : i32
    %mul3A_199 = arith.constant 128 : i32
    %mul3A_200 = arith.muli %add3A_196, %mul3A_199 : i32
    %lt3A_201 = arith.constant 78 : i32
    %lt3A_202 = arith.cmpi slt, %add3A_196, %lt3A_201 : i32
    %convert_element_type3A_203 = arith.extui %lt3A_202 : i1 to i32
    %cond3A_204 = arith.constant 0 : i32
    %cond3A_205 = arith.cmpi ne, %convert_element_type3A_203, %cond3A_204 : i32
    scf.if %cond3A_205 {
      %dma_wait3A_243 = arith.constant 0 : i32
      %dma_wait3A_244 = tpu.memref_slice %arg5[%arg0, %mul3A_198, %dma_wait3A_243] : memref<2x10000x128xf32, #tpu.memory_space<hbm>> -> memref<1x128x128xf32, #tpu.memory_space<hbm>>
      %dma_wait3A_245 = tpu.memref_squeeze %dma_wait3A_244 : memref<1x128x128xf32, #tpu.memory_space<hbm>> -> memref<128x128xf32, #tpu.memory_space<hbm>>
      %dma_wait3A_246 = arith.constant 0 : i32
      %dma_wait3A_247 = tpu.memref_slice %arg5[%arg0, %mul3A_198, %dma_wait3A_246] : memref<2x10000x128xf32, #tpu.memory_space<hbm>> -> memref<1x128x128xf32, #tpu.memory_space<hbm>>
      %dma_wait3A_248 = tpu.memref_squeeze %dma_wait3A_247 : memref<1x128x128xf32, #tpu.memory_space<hbm>> -> memref<128x128xf32, #tpu.memory_space<hbm>>
      tpu.wait_dma2 semaphore(%arg18 : memref<!tpu.dma_semaphore, #tpu.memory_space<semaphore_mem>>) src(%arg8 : memref<128x128xf32, #tpu.memory_space<vmem>>) dst(%dma_wait3A_248 : memref<128x128xf32, #tpu.memory_space<hbm>>)
    } else {
    }
    %eq3A_206 = arith.constant 78 : i32
    %eq3A_207 = arith.cmpi eq, %add3A_196, %eq3A_206 : i32
    %convert_element_type3A_208 = arith.extui %eq3A_207 : i1 to i32
    %cond3A_209 = arith.constant 0 : i32
    %cond3A_210 = arith.cmpi ne, %convert_element_type3A_208, %cond3A_209 : i32
    scf.if %cond3A_210 {
      %dma_wait3A_243 = arith.constant 0 : i32
      %dma_wait3A_244 = arith.constant 0 : i32
      %dma_wait3A_245 = tpu.memref_slice %arg8[%dma_wait3A_243, %dma_wait3A_244] : memref<128x128xf32, #tpu.memory_space<vmem>> -> memref<16x128xf32, #tpu.memory_space<vmem>>
      %dma_wait3A_246 = arith.constant 0 : i32
      %dma_wait3A_247 = tpu.memref_slice %arg5[%arg0, %mul3A_200, %dma_wait3A_246] : memref<2x10000x128xf32, #tpu.memory_space<hbm>> -> memref<1x16x128xf32, #tpu.memory_space<hbm>>
      %dma_wait3A_248 = tpu.memref_squeeze %dma_wait3A_247 : memref<1x16x128xf32, #tpu.memory_space<hbm>> -> memref<16x128xf32, #tpu.memory_space<hbm>>
      %dma_wait3A_249 = arith.constant 0 : i32
      %dma_wait3A_250 = tpu.memref_slice %arg5[%arg0, %mul3A_200, %dma_wait3A_249] : memref<2x10000x128xf32, #tpu.memory_space<hbm>> -> memref<1x16x128xf32, #tpu.memory_space<hbm>>
      %dma_wait3A_251 = tpu.memref_squeeze %dma_wait3A_250 : memref<1x16x128xf32, #tpu.memory_space<hbm>> -> memref<16x128xf32, #tpu.memory_space<hbm>>
      %dma_wait3A_252 = arith.constant 0 : i32
      %dma_wait3A_253 = arith.constant 0 : i32
      %dma_wait3A_254 = tpu.memref_slice %arg8[%dma_wait3A_252, %dma_wait3A_253] : memref<128x128xf32, #tpu.memory_space<vmem>> -> memref<16x128xf32, #tpu.memory_space<vmem>>
      tpu.wait_dma2 semaphore(%arg18 : memref<!tpu.dma_semaphore, #tpu.memory_space<semaphore_mem>>) src(%dma_wait3A_254 : memref<16x128xf32, #tpu.memory_space<vmem>>) dst(%dma_wait3A_251 : memref<16x128xf32, #tpu.memory_space<hbm>>)
    } else {
    }
    %add3A_211 = arith.constant 48 : i32
    %add3A_212 = arith.addi %add3A_211, %arg1 : i32
    %mul3A_213 = arith.constant 128 : i32
    %mul3A_214 = arith.muli %add3A_212, %mul3A_213 : i32
    %mul3A_215 = arith.constant 128 : i32
    %mul3A_216 = arith.muli %add3A_212, %mul3A_215 : i32
    %lt3A_217 = arith.constant 78 : i32
    %lt3A_218 = arith.cmpi slt, %add3A_212, %lt3A_217 : i32
    %convert_element_type3A_219 = arith.extui %lt3A_218 : i1 to i32
    %cond3A_220 = arith.constant 0 : i32
    %cond3A_221 = arith.cmpi ne, %convert_element_type3A_219, %cond3A_220 : i32
    scf.if %cond3A_221 {
      %dma_wait3A_243 = arith.constant 0 : i32
      %dma_wait3A_244 = tpu.memref_slice %arg5[%arg0, %mul3A_214, %dma_wait3A_243] : memref<2x10000x128xf32, #tpu.memory_space<hbm>> -> memref<1x128x128xf32, #tpu.memory_space<hbm>>
      %dma_wait3A_245 = tpu.memref_squeeze %dma_wait3A_244 : memref<1x128x128xf32, #tpu.memory_space<hbm>> -> memref<128x128xf32, #tpu.memory_space<hbm>>
      %dma_wait3A_246 = arith.constant 0 : i32
      %dma_wait3A_247 = tpu.memref_slice %arg5[%arg0, %mul3A_214, %dma_wait3A_246] : memref<2x10000x128xf32, #tpu.memory_space<hbm>> -> memref<1x128x128xf32, #tpu.memory_space<hbm>>
      %dma_wait3A_248 = tpu.memref_squeeze %dma_wait3A_247 : memref<1x128x128xf32, #tpu.memory_space<hbm>> -> memref<128x128xf32, #tpu.memory_space<hbm>>
      tpu.wait_dma2 semaphore(%arg16 : memref<!tpu.dma_semaphore, #tpu.memory_space<semaphore_mem>>) src(%arg6 : memref<128x128xf32, #tpu.memory_space<vmem>>) dst(%dma_wait3A_248 : memref<128x128xf32, #tpu.memory_space<hbm>>)
    } else {
    }
    %eq3A_222 = arith.constant 78 : i32
    %eq3A_223 = arith.cmpi eq, %add3A_212, %eq3A_222 : i32
    %convert_element_type3A_224 = arith.extui %eq3A_223 : i1 to i32
    %cond3A_225 = arith.constant 0 : i32
    %cond3A_226 = arith.cmpi ne, %convert_element_type3A_224, %cond3A_225 : i32
    scf.if %cond3A_226 {
      %dma_wait3A_243 = arith.constant 0 : i32
      %dma_wait3A_244 = arith.constant 0 : i32
      %dma_wait3A_245 = tpu.memref_slice %arg6[%dma_wait3A_243, %dma_wait3A_244] : memref<128x128xf32, #tpu.memory_space<vmem>> -> memref<16x128xf32, #tpu.memory_space<vmem>>
      %dma_wait3A_246 = arith.constant 0 : i32
      %dma_wait3A_247 = tpu.memref_slice %arg5[%arg0, %mul3A_216, %dma_wait3A_246] : memref<2x10000x128xf32, #tpu.memory_space<hbm>> -> memref<1x16x128xf32, #tpu.memory_space<hbm>>
      %dma_wait3A_248 = tpu.memref_squeeze %dma_wait3A_247 : memref<1x16x128xf32, #tpu.memory_space<hbm>> -> memref<16x128xf32, #tpu.memory_space<hbm>>
      %dma_wait3A_249 = arith.constant 0 : i32
      %dma_wait3A_250 = tpu.memref_slice %arg5[%arg0, %mul3A_216, %dma_wait3A_249] : memref<2x10000x128xf32, #tpu.memory_space<hbm>> -> memref<1x16x128xf32, #tpu.memory_space<hbm>>
      %dma_wait3A_251 = tpu.memref_squeeze %dma_wait3A_250 : memref<1x16x128xf32, #tpu.memory_space<hbm>> -> memref<16x128xf32, #tpu.memory_space<hbm>>
      %dma_wait3A_252 = arith.constant 0 : i32
      %dma_wait3A_253 = arith.constant 0 : i32
      %dma_wait3A_254 = tpu.memref_slice %arg6[%dma_wait3A_252, %dma_wait3A_253] : memref<128x128xf32, #tpu.memory_space<vmem>> -> memref<16x128xf32, #tpu.memory_space<vmem>>
      tpu.wait_dma2 semaphore(%arg16 : memref<!tpu.dma_semaphore, #tpu.memory_space<semaphore_mem>>) src(%dma_wait3A_254 : memref<16x128xf32, #tpu.memory_space<vmem>>) dst(%dma_wait3A_251 : memref<16x128xf32, #tpu.memory_space<hbm>>)
    } else {
    }
    %add3A_227 = arith.constant 64 : i32
    %add3A_228 = arith.addi %add3A_227, %arg1 : i32
    %mul3A_229 = arith.constant 128 : i32
    %mul3A_230 = arith.muli %add3A_228, %mul3A_229 : i32
    %mul3A_231 = arith.constant 128 : i32
    %mul3A_232 = arith.muli %add3A_228, %mul3A_231 : i32
    %lt3A_233 = arith.constant 78 : i32
    %lt3A_234 = arith.cmpi slt, %add3A_228, %lt3A_233 : i32
    %convert_element_type3A_235 = arith.extui %lt3A_234 : i1 to i32
    %cond3A_236 = arith.constant 0 : i32
    %cond3A_237 = arith.cmpi ne, %convert_element_type3A_235, %cond3A_236 : i32
    scf.if %cond3A_237 {
      %dma_wait3A_243 = arith.constant 0 : i32
      %dma_wait3A_244 = tpu.memref_slice %arg5[%arg0, %mul3A_230, %dma_wait3A_243] : memref<2x10000x128xf32, #tpu.memory_space<hbm>> -> memref<1x128x128xf32, #tpu.memory_space<hbm>>
      %dma_wait3A_245 = tpu.memref_squeeze %dma_wait3A_244 : memref<1x128x128xf32, #tpu.memory_space<hbm>> -> memref<128x128xf32, #tpu.memory_space<hbm>>
      %dma_wait3A_246 = arith.constant 0 : i32
      %dma_wait3A_247 = tpu.memref_slice %arg5[%arg0, %mul3A_230, %dma_wait3A_246] : memref<2x10000x128xf32, #tpu.memory_space<hbm>> -> memref<1x128x128xf32, #tpu.memory_space<hbm>>
      %dma_wait3A_248 = tpu.memref_squeeze %dma_wait3A_247 : memref<1x128x128xf32, #tpu.memory_space<hbm>> -> memref<128x128xf32, #tpu.memory_space<hbm>>
      tpu.wait_dma2 semaphore(%arg17 : memref<!tpu.dma_semaphore, #tpu.memory_space<semaphore_mem>>) src(%arg7 : memref<128x128xf32, #tpu.memory_space<vmem>>) dst(%dma_wait3A_248 : memref<128x128xf32, #tpu.memory_space<hbm>>)
    } else {
    }
    %eq3A_238 = arith.constant 78 : i32
    %eq3A_239 = arith.cmpi eq, %add3A_228, %eq3A_238 : i32
    %convert_element_type3A_240 = arith.extui %eq3A_239 : i1 to i32
    %cond3A_241 = arith.constant 0 : i32
    %cond3A_242 = arith.cmpi ne, %convert_element_type3A_240, %cond3A_241 : i32
    scf.if %cond3A_242 {
      %dma_wait3A_243 = arith.constant 0 : i32
      %dma_wait3A_244 = arith.constant 0 : i32
      %dma_wait3A_245 = tpu.memref_slice %arg7[%dma_wait3A_243, %dma_wait3A_244] : memref<128x128xf32, #tpu.memory_space<vmem>> -> memref<16x128xf32, #tpu.memory_space<vmem>>
      %dma_wait3A_246 = arith.constant 0 : i32
      %dma_wait3A_247 = tpu.memref_slice %arg5[%arg0, %mul3A_232, %dma_wait3A_246] : memref<2x10000x128xf32, #tpu.memory_space<hbm>> -> memref<1x16x128xf32, #tpu.memory_space<hbm>>
      %dma_wait3A_248 = tpu.memref_squeeze %dma_wait3A_247 : memref<1x16x128xf32, #tpu.memory_space<hbm>> -> memref<16x128xf32, #tpu.memory_space<hbm>>
      %dma_wait3A_249 = arith.constant 0 : i32
      %dma_wait3A_250 = tpu.memref_slice %arg5[%arg0, %mul3A_232, %dma_wait3A_249] : memref<2x10000x128xf32, #tpu.memory_space<hbm>> -> memref<1x16x128xf32, #tpu.memory_space<hbm>>
      %dma_wait3A_251 = tpu.memref_squeeze %dma_wait3A_250 : memref<1x16x128xf32, #tpu.memory_space<hbm>> -> memref<16x128xf32, #tpu.memory_space<hbm>>
      %dma_wait3A_252 = arith.constant 0 : i32
      %dma_wait3A_253 = arith.constant 0 : i32
      %dma_wait3A_254 = tpu.memref_slice %arg7[%dma_wait3A_252, %dma_wait3A_253] : memref<128x128xf32, #tpu.memory_space<vmem>> -> memref<16x128xf32, #tpu.memory_space<vmem>>
      tpu.wait_dma2 semaphore(%arg17 : memref<!tpu.dma_semaphore, #tpu.memory_space<semaphore_mem>>) src(%dma_wait3A_254 : memref<16x128xf32, #tpu.memory_space<vmem>>) dst(%dma_wait3A_251 : memref<16x128xf32, #tpu.memory_space<hbm>>)
    } else {
    }
    return
  }
}

module attributes {stable_mosaic.version = 14 : i64} {
  func.func @_xw_body(%arg0: memref<10000x128xf32, #tpu.memory_space<vmem>>, %arg1: memref<128x128xf32, #tpu.memory_space<vmem>>, %arg2: memref<1x128xf32, #tpu.memory_space<vmem>>, %arg3: memref<10000x128xf32, #tpu.memory_space<vmem>>) attributes {dimension_semantics = [], scalar_prefetch = 0 : i64, scratch_operands = 0 : i64, tpu.core_type = #tpu.core_type<tc>} {
    %get3A = arith.constant 0 : index
    %get3A_0 = arith.constant 0 : index
    %get3A_1 = vector.load %arg0[%get3A, %get3A_0] : memref<10000x128xf32, #tpu.memory_space<vmem>>, vector<10000x128xf32>
    %get3A_2 = arith.constant 0 : index
    %get3A_3 = arith.constant 0 : index
    %get3A_4 = vector.load %arg1[%get3A_2, %get3A_3] : memref<128x128xf32, #tpu.memory_space<vmem>>, vector<128x128xf32>
    %transpose3A = tpu.transpose %get3A_4, [1, 0] : vector<128x128xf32> -> vector<128x128xf32>
    %dot_general3A = arith.constant dense<0.000000e+00> : vector<10000x128xf32>
    %dot_general3A_5 = tpu.matmul %get3A_1, %transpose3A, %dot_general3A {dimension_numbers = #tpu.dot_dimension_numbers<[1], [0], [0], [1], [0, 0, 1, 1], [], []>, transpose_lhs_hint = false} : vector<10000x128xf32>, vector<128x128xf32>, vector<10000x128xf32> -> vector<10000x128xf32>
    %get3A_6 = arith.constant 0 : index
    %get3A_7 = arith.constant 0 : index
    %get3A_8 = vector.load %arg2[%get3A_6, %get3A_7] : memref<1x128xf32, #tpu.memory_space<vmem>>, vector<1x128xf32>
    %add3A = vector.broadcast %get3A_8 : vector<1x128xf32> to vector<10000x128xf32>
    %add3A_9 = arith.addf %dot_general3A_5, %add3A : vector<10000x128xf32>
    %swap3A = arith.constant 0 : index
    %swap3A_10 = arith.constant 0 : index
    %swap3A_11 = vector.load %arg3[%swap3A, %swap3A_10] : memref<10000x128xf32, #tpu.memory_space<vmem>>, vector<10000x128xf32>
    tpu.vector_store %arg3[%swap3A, %swap3A_10], %add3A_9 {strides = array<i32>} : memref<10000x128xf32, #tpu.memory_space<vmem>>, vector<10000x128xf32>,
    return
  }
}

module attributes {stable_mosaic.version = 14 : i64} {
  func.func @_mlp_body(%arg0: memref<10000x128xf32, #tpu.memory_space<vmem>>, %arg1: memref<2x10000x128xf32, #tpu.memory_space<vmem>>, %arg2: memref<128x128xf32, #tpu.memory_space<vmem>>, %arg3: memref<1x128xf32, #tpu.memory_space<vmem>>, %arg4: memref<1x128xf32, #tpu.memory_space<vmem>>, %arg5: memref<128x128xf32, #tpu.memory_space<vmem>>, %arg6: memref<1x128xf32, #tpu.memory_space<vmem>>, %arg7: memref<1x128xf32, #tpu.memory_space<vmem>>, %arg8: memref<1x128xf32, #tpu.memory_space<vmem>>, %arg9: memref<128x128xf32, #tpu.memory_space<vmem>>, %arg10: memref<1x128xf32, #tpu.memory_space<vmem>>, %arg11: memref<10000x128xf32, #tpu.memory_space<vmem>>) attributes {dimension_semantics = [], scalar_prefetch = 0 : i64, scratch_operands = 0 : i64, tpu.core_type = #tpu.core_type<tc>} {
    %get3A = arith.constant 0 : index
    %get3A_0 = arith.constant 0 : index
    %get3A_1 = arith.constant 0 : index
    %get3A_2 = vector.load %arg1[%get3A, %get3A_0, %get3A_1] : memref<2x10000x128xf32, #tpu.memory_space<vmem>>, vector<1x10000x128xf32>
    %get3A_3 = vector.shape_cast %get3A_2 : vector<1x10000x128xf32> to vector<10000x128xf32>
    %get3A_4 = arith.constant 1 : index
    %get3A_5 = arith.constant 0 : index
    %get3A_6 = arith.constant 0 : index
    %get3A_7 = vector.load %arg1[%get3A_4, %get3A_5, %get3A_6] : memref<2x10000x128xf32, #tpu.memory_space<vmem>>, vector<1x10000x128xf32>
    %get3A_8 = vector.shape_cast %get3A_7 : vector<1x10000x128xf32> to vector<10000x128xf32>
    %add3A = arith.addf %get3A_3, %get3A_8 : vector<10000x128xf32>
    %get3A_9 = arith.constant 0 : index
    %get3A_10 = arith.constant 0 : index
    %get3A_11 = vector.load %arg0[%get3A_9, %get3A_10] : memref<10000x128xf32, #tpu.memory_space<vmem>>, vector<10000x128xf32>
    %get3A_12 = arith.constant 0 : index
    %get3A_13 = arith.constant 0 : index
    %get3A_14 = vector.load %arg2[%get3A_12, %get3A_13] : memref<128x128xf32, #tpu.memory_space<vmem>>, vector<128x128xf32>
    %transpose3A = tpu.transpose %get3A_14, [1, 0] : vector<128x128xf32> -> vector<128x128xf32>
    %dot_general3A = arith.constant dense<0.000000e+00> : vector<10000x128xf32>
    %dot_general3A_15 = tpu.matmul %add3A, %transpose3A, %dot_general3A {dimension_numbers = #tpu.dot_dimension_numbers<[1], [0], [0], [1], [0, 0, 1, 1], [], []>, transpose_lhs_hint = false} : vector<10000x128xf32>, vector<128x128xf32>, vector<10000x128xf32> -> vector<10000x128xf32>
    %add3A_16 = arith.addf %get3A_11, %dot_general3A_15 : vector<10000x128xf32>
    %logistic3A = arith.negf %add3A_16 : vector<10000x128xf32>
    %logistic3A_17 = math.exp %logistic3A : vector<10000x128xf32>
    %logistic3A_18 = arith.constant 1.000000e+00 : f32
    %logistic3A_19 = vector.broadcast %logistic3A_18 : f32 to vector<10000x128xf32>
    %logistic3A_20 = arith.addf %logistic3A_19, %logistic3A_17 : vector<10000x128xf32>
    %logistic3A_21 = arith.divf %logistic3A_19, %logistic3A_20 : vector<10000x128xf32>
    %mul3A = arith.mulf %add3A_16, %logistic3A_21 : vector<10000x128xf32>
    %reduce_sum3A = arith.constant dense<0.000000e+00> : vector<128xf32>
    %reduce_sum3A_22 = vector.multi_reduction <add>, %mul3A, %reduce_sum3A [0] : vector<10000x128xf32> to vector<128xf32>
    %broadcast_in_dim3A = vector.shape_cast %reduce_sum3A_22 : vector<128xf32> to vector<1x128xf32>
    %div3A = arith.constant 1.000000e+04 : f32
    %div3A_23 = vector.broadcast %div3A : f32 to vector<1x128xf32>
    %div3A_24 = arith.divf %broadcast_in_dim3A, %div3A_23 : vector<1x128xf32>
    %sub3A = vector.broadcast %div3A_24 : vector<1x128xf32> to vector<10000x128xf32>
    %sub3A_25 = arith.subf %mul3A, %sub3A : vector<10000x128xf32>
    %mul3A_26 = arith.mulf %sub3A_25, %sub3A_25 : vector<10000x128xf32>
    %reduce_sum3A_27 = arith.constant dense<0.000000e+00> : vector<128xf32>
    %reduce_sum3A_28 = vector.multi_reduction <add>, %mul3A_26, %reduce_sum3A_27 [0] : vector<10000x128xf32> to vector<128xf32>
    %broadcast_in_dim3A_29 = vector.shape_cast %reduce_sum3A_28 : vector<128xf32> to vector<1x128xf32>
    %div3A_30 = arith.constant 1.000000e+04 : f32
    %div3A_31 = vector.broadcast %div3A_30 : f32 to vector<1x128xf32>
    %div3A_32 = arith.divf %broadcast_in_dim3A_29, %div3A_31 : vector<1x128xf32>
    %add3A_33 = arith.constant 9.99999974E-6 : f32
    %add3A_34 = vector.broadcast %add3A_33 : f32 to vector<1x128xf32>
    %add3A_35 = arith.addf %div3A_32, %add3A_34 : vector<1x128xf32>
    %rsqrt3A = math.rsqrt %add3A_35 : vector<1x128xf32>
    %mul3A_36 = vector.broadcast %rsqrt3A : vector<1x128xf32> to vector<10000x128xf32>
    %mul3A_37 = arith.mulf %sub3A_25, %mul3A_36 : vector<10000x128xf32>
    %get3A_38 = arith.constant 0 : index
    %get3A_39 = arith.constant 0 : index
    %get3A_40 = vector.load %arg3[%get3A_38, %get3A_39] : memref<1x128xf32, #tpu.memory_space<vmem>>, vector<1x128xf32>
    %mul3A_41 = vector.broadcast %get3A_40 : vector<1x128xf32> to vector<10000x128xf32>
    %mul3A_42 = arith.mulf %mul3A_37, %mul3A_41 : vector<10000x128xf32>
    %get3A_43 = arith.constant 0 : index
    %get3A_44 = arith.constant 0 : index
    %get3A_45 = vector.load %arg4[%get3A_43, %get3A_44] : memref<1x128xf32, #tpu.memory_space<vmem>>, vector<1x128xf32>
    %add3A_46 = vector.broadcast %get3A_45 : vector<1x128xf32> to vector<10000x128xf32>
    %add3A_47 = arith.addf %mul3A_42, %add3A_46 : vector<10000x128xf32>
    %get3A_48 = arith.constant 0 : index
    %get3A_49 = arith.constant 0 : index
    %get3A_50 = vector.load %arg5[%get3A_48, %get3A_49] : memref<128x128xf32, #tpu.memory_space<vmem>>, vector<128x128xf32>
    %transpose3A_51 = tpu.transpose %get3A_50, [1, 0] : vector<128x128xf32> -> vector<128x128xf32>
    %dot_general3A_52 = arith.constant dense<0.000000e+00> : vector<10000x128xf32>
    %dot_general3A_53 = tpu.matmul %add3A_47, %transpose3A_51, %dot_general3A_52 {dimension_numbers = #tpu.dot_dimension_numbers<[1], [0], [0], [1], [0, 0, 1, 1], [], []>, transpose_lhs_hint = false} : vector<10000x128xf32>, vector<128x128xf32>, vector<10000x128xf32> -> vector<10000x128xf32>
    %get3A_54 = arith.constant 0 : index
    %get3A_55 = arith.constant 0 : index
    %get3A_56 = vector.load %arg6[%get3A_54, %get3A_55] : memref<1x128xf32, #tpu.memory_space<vmem>>, vector<1x128xf32>
    %add3A_57 = vector.broadcast %get3A_56 : vector<1x128xf32> to vector<10000x128xf32>
    %add3A_58 = arith.addf %dot_general3A_53, %add3A_57 : vector<10000x128xf32>
    %logistic3A_59 = arith.negf %add3A_58 : vector<10000x128xf32>
    %logistic3A_60 = math.exp %logistic3A_59 : vector<10000x128xf32>
    %logistic3A_61 = arith.constant 1.000000e+00 : f32
    %logistic3A_62 = vector.broadcast %logistic3A_61 : f32 to vector<10000x128xf32>
    %logistic3A_63 = arith.addf %logistic3A_62, %logistic3A_60 : vector<10000x128xf32>
    %logistic3A_64 = arith.divf %logistic3A_62, %logistic3A_63 : vector<10000x128xf32>
    %mul3A_65 = arith.mulf %add3A_58, %logistic3A_64 : vector<10000x128xf32>
    %reduce_sum3A_66 = arith.constant dense<0.000000e+00> : vector<128xf32>
    %reduce_sum3A_67 = vector.multi_reduction <add>, %mul3A_65, %reduce_sum3A_66 [0] : vector<10000x128xf32> to vector<128xf32>
    %broadcast_in_dim3A_68 = vector.shape_cast %reduce_sum3A_67 : vector<128xf32> to vector<1x128xf32>
    %div3A_69 = arith.constant 1.000000e+04 : f32
    %div3A_70 = vector.broadcast %div3A_69 : f32 to vector<1x128xf32>
    %div3A_71 = arith.divf %broadcast_in_dim3A_68, %div3A_70 : vector<1x128xf32>
    %sub3A_72 = vector.broadcast %div3A_71 : vector<1x128xf32> to vector<10000x128xf32>
    %sub3A_73 = arith.subf %mul3A_65, %sub3A_72 : vector<10000x128xf32>
    %mul3A_74 = arith.mulf %sub3A_73, %sub3A_73 : vector<10000x128xf32>
    %reduce_sum3A_75 = arith.constant dense<0.000000e+00> : vector<128xf32>
    %reduce_sum3A_76 = vector.multi_reduction <add>, %mul3A_74, %reduce_sum3A_75 [0] : vector<10000x128xf32> to vector<128xf32>
    %broadcast_in_dim3A_77 = vector.shape_cast %reduce_sum3A_76 : vector<128xf32> to vector<1x128xf32>
    %div3A_78 = arith.constant 1.000000e+04 : f32
    %div3A_79 = vector.broadcast %div3A_78 : f32 to vector<1x128xf32>
    %div3A_80 = arith.divf %broadcast_in_dim3A_77, %div3A_79 : vector<1x128xf32>
    %add3A_81 = arith.constant 9.99999974E-6 : f32
    %add3A_82 = vector.broadcast %add3A_81 : f32 to vector<1x128xf32>
    %add3A_83 = arith.addf %div3A_80, %add3A_82 : vector<1x128xf32>
    %rsqrt3A_84 = math.rsqrt %add3A_83 : vector<1x128xf32>
    %mul3A_85 = vector.broadcast %rsqrt3A_84 : vector<1x128xf32> to vector<10000x128xf32>
    %mul3A_86 = arith.mulf %sub3A_73, %mul3A_85 : vector<10000x128xf32>
    %get3A_87 = arith.constant 0 : index
    %get3A_88 = arith.constant 0 : index
    %get3A_89 = vector.load %arg7[%get3A_87, %get3A_88] : memref<1x128xf32, #tpu.memory_space<vmem>>, vector<1x128xf32>
    %mul3A_90 = vector.broadcast %get3A_89 : vector<1x128xf32> to vector<10000x128xf32>
    %mul3A_91 = arith.mulf %mul3A_86, %mul3A_90 : vector<10000x128xf32>
    %get3A_92 = arith.constant 0 : index
    %get3A_93 = arith.constant 0 : index
    %get3A_94 = vector.load %arg8[%get3A_92, %get3A_93] : memref<1x128xf32, #tpu.memory_space<vmem>>, vector<1x128xf32>
    %add3A_95 = vector.broadcast %get3A_94 : vector<1x128xf32> to vector<10000x128xf32>
    %add3A_96 = arith.addf %mul3A_91, %add3A_95 : vector<10000x128xf32>
    %get3A_97 = arith.constant 0 : index
    %get3A_98 = arith.constant 0 : index
    %get3A_99 = vector.load %arg9[%get3A_97, %get3A_98] : memref<128x128xf32, #tpu.memory_space<vmem>>, vector<128x128xf32>
    %transpose3A_100 = tpu.transpose %get3A_99, [1, 0] : vector<128x128xf32> -> vector<128x128xf32>
    %dot_general3A_101 = arith.constant dense<0.000000e+00> : vector<10000x128xf32>
    %dot_general3A_102 = tpu.matmul %add3A_96, %transpose3A_100, %dot_general3A_101 {dimension_numbers = #tpu.dot_dimension_numbers<[1], [0], [0], [1], [0, 0, 1, 1], [], []>, transpose_lhs_hint = false} : vector<10000x128xf32>, vector<128x128xf32>, vector<10000x128xf32> -> vector<10000x128xf32>
    %get3A_103 = arith.constant 0 : index
    %get3A_104 = arith.constant 0 : index
    %get3A_105 = vector.load %arg10[%get3A_103, %get3A_104] : memref<1x128xf32, #tpu.memory_space<vmem>>, vector<1x128xf32>
    %add3A_106 = vector.broadcast %get3A_105 : vector<1x128xf32> to vector<10000x128xf32>
    %add3A_107 = arith.addf %dot_general3A_102, %add3A_106 : vector<10000x128xf32>
    %swap3A = arith.constant 0 : index
    %swap3A_108 = arith.constant 0 : index
    %swap3A_109 = vector.load %arg11[%swap3A, %swap3A_108] : memref<10000x128xf32, #tpu.memory_space<vmem>>, vector<10000x128xf32>
    tpu.vector_store %arg11[%swap3A, %swap3A_108], %add3A_107 {strides = array<i32>} : memref<10000x128xf32, #tpu.memory_space<vmem>>, vector<10000x128xf32>,
    return
  }
}

</mosaic_0001>

<sc_bundles>
// kernel: kernel.5.cloned.1.call-start
scs
__scs_entry_jumppad:
0x0: {  	(pc) =	sbr.rel $0x88, $3  }
0x1: {  	(tag) =	ssettag $0x0;
	lr =	simm.s32 $0x1  }
0x2: {  	[smem:$0x3F94] =	sst lr;
	_ =	strace $0xD0000000  }
0x3: {  	_ = 	snop  }
0x4: {  	_ = 	snop  }
0x5: {  	_ = 	snop  }
0x6: {  	_ = 	snop  }
0x7: {  	_ = 	snop  }
__scs_overlays_trampoline_lowered:
0x8: {  	[smem:$0x3FA3] =	sst s0  }
0x9: {  	[smem:$0x3FA4] =	sst s1  }
0xa: {  	[smem:$0x3FA5] =	sst s2  }
0xb: {  	[smem:$0x3FA6] =	sst s3  }
0xc: {  	[smem:$0x3FA7] =	sst s4  }
0xd: {  	[smem:$0x3FA8] =	sst s5  }
0xe: {  	[smem:$0x3FA9] =	sst s6  }
0xf: {  	[smem:$0x3FAA] =	sst s7  }
0x10: {  	[smem:$0x3FAB] =	sst s8  }
0x11: {  	[smem:$0x3FAC] =	sst s9;
	s0 =	simm.s32 @!p0 $0x0  }
0x12: {  	s1 =	sld [smem:$0x3F92];
	s0 =	simm.s32 @p0 $0x1  }
0x13: {  	[smem:$0x3FAD] =	sst s0;
	s0 =	simm.s32 @!p1 $0x0  }
0x14: {  	s2 =	sld [smem:$0x3F91];
	s0 =	simm.s32 @p1 $0x1  }
0x15: {  	[smem:$0x3FAE] =	sst s0;
	s0 =	simm.s32 @!p2 $0x0  }
0x16: {  	s3 =	sld [smem:$0x3FDB];
	s0 =	simm.s32 @p2 $0x1  }
0x17: {  	s4 =	simm.s32 $0x1BF5;
	[smem:$0x3FB0] =	sst s0  }
0x18: {  	s0 =	sld [smem:$0x3F93];
	_ =	swait.ge [sflag:s4], $0x0  }
0x19: {  	s7 =	sld [smem:$0x3F94]  }
0x1a: {  	s8 =	sadd.s32 $0xFFFFE003, lr  }
0x1b: {  	s9 =	sadd.s32 $0xFFFFFEF7, lr;
	s5 =	simm.s32 $0xFFFFFFFF;
	p2 =	slt.u32 s8, $0xFFFFF086  }
0x1c: {  	p1 =	slt.u32 s9, $0xF7A;
	s5 =	simm.s32 @!p2 $0x0  }
0x1d: {  	s5 =	simm.s32 @p1 $0x1;
	p0 =	seq.s32 s7, s2  }
0x1e: {  	s7 =	smul.u32 @!p0 $0xF7A, s2;
	p2 =	seq.s32 @!p0 s5, $0x0  }
0x1f: {  	s9 =	smul.u32 $0xF7A, s1;
	s8 =	simm.s32 @!p0 $0x1BF5;
	p2 =	por !p2, p0  }
0x20: {  	[sflag:s8] =	ssyncset.s32 @!p0 $0xFFFFF086;
	s6 =	sadd.s32 @!p0 s3, s7;
	s7 =	simm.s32 @!p0 $0x108  }
0x21: {  	s3 =	sadd.s32 s3, s9;
	s6 =	sadd.s32 @!p0 $0x88, s6;
	s7 =	simm.s32 @p2 $0x1082  }
0x22: {  	[simem:s7], [sflag:s8] =	dma.local @!p0 [hbm:s6], $0xF7A  }
0x23: {  	s9 =	sor.u32 $0xD0000000, s2;
	s6 =	simm.s32 $0x108;
	_ =	swait.ge @!p0 [sflag:s8], $0x0  }
0x24: {  	s3 =	sadd.s32 $0x88, s3;
	s6 =	simm.s32 @!p1 $0x1082;
	[sflag:s4] =	ssyncset.s32 $0xFFFFF086  }
0x25: {  	[simem:s6], [sflag:s4] =	dma.local [hbm:s3], $0xF7A  }
0x26: {  	[smem:$0x3F94] =	sst s1;
	(tag) =	ssettag s2;
	_ =	strace s9  }
0x27: {  	s1 =	sld [smem:$0x3FA4]  }
0x28: {  	s2 =	sld [smem:$0x3FA5]  }
0x29: {  	s4 =	sld [smem:$0x3FA7]  }
0x2a: {  	p0 =	seq.s32 s5, $0x0;
	s5 =	sld [smem:$0x3FA8]  }
0x2b: {  	s6 =	sld [smem:$0x3FA9]  }
0x2c: {  	s7 =	sld [smem:$0x3FAA]  }
0x2d: {  	s3 =	simm.s32 $0x108;
	s8 =	sld [smem:$0x3FAB]  }
0x2e: {  	s3 =	simm.s32 @!p0 $0x1082;
	s9 =	sld [smem:$0x3FAC]  }
0x2f: {  	lr =	sadd.s32 s0, s3;
	s0 =	sld [smem:$0x3FA3]  }
0x30: {  	s3 =	sld [smem:$0x3FA6]  }
0x31: {  	[smem:$0x3FAF] =	sst s10  }
0x32: {  	s10 =	sld [smem:$0x3FAD];
	_ =	sdelay $0x3  }
0x33: {  	p0 =	seq.s32 s10, $0x1;
	s10 =	sld [smem:$0x3FAF];
	_ =	sdelay $0x3  }
0x34: {  	[smem:$0x3FAF] =	sst s10  }
0x35: {  	s10 =	sld [smem:$0x3FAE];
	_ =	sdelay $0x3  }
0x36: {  	p1 =	seq.s32 s10, $0x1;
	s10 =	sld [smem:$0x3FAF];
	_ =	sdelay $0x3  }
0x37: {  	[smem:$0x3FAF] =	sst s10  }
0x38: {  	s10 =	sld [smem:$0x3FB0]  }
0x39: {  	_ = 	snop;
	(pc) =	sbr.ind lr, $3  }
0x3a: {  	_ = 	snop  }
0x3b: {  	_ = 	snop  }
0x3c: {  	p2 =	seq.s32 s10, $0x1;
	s10 =	sld [smem:$0x3FAF]  }
0x3d: {  	_ =	shalt  }
0x3e: {  	_ =	shalt  }
0x3f: {  	_ =	shalt  }
0x40: {  	_ =	shalt  }
0x41: {  	_ =	shalt  }
0x42: {  	_ =	shalt  }
0x43: {  	_ =	shalt  }
0x44: {  	_ =	shalt  }
0x45: {  	_ =	shalt  }
0x46: {  	_ =	shalt  }
0x47: {  	_ =	shalt  }
0x48: {  	_ =	shalt  }
0x49: {  	_ =	shalt  }
0x4a: {  	_ =	shalt  }
0x4b: {  	_ =	shalt  }
0x4c: {  	_ =	shalt  }
0x4d: {  	_ =	shalt  }
0x4e: {  	_ =	shalt  }
0x4f: {  	_ =	shalt  }
0x50: {  	_ =	shalt  }
0x51: {  	_ =	shalt  }
0x52: {  	_ =	shalt  }
0x53: {  	_ =	shalt  }
0x54: {  	_ =	shalt  }
0x55: {  	_ =	shalt  }
0x56: {  	_ =	shalt  }
0x57: {  	_ =	shalt  }
0x58: {  	_ =	shalt  }
0x59: {  	_ =	shalt  }
0x5a: {  	_ =	shalt  }
0x5b: {  	_ =	shalt  }
0x5c: {  	_ =	shalt  }
0x5d: {  	_ =	shalt  }
0x5e: {  	_ =	shalt  }
0x5f: {  	_ =	shalt  }
0x60: {  	_ =	shalt  }
0x61: {  	_ =	shalt  }
0x62: {  	_ =	shalt  }
0x63: {  	_ =	shalt  }
0x64: {  	_ =	shalt  }
0x65: {  	_ =	shalt  }
0x66: {  	_ =	shalt  }
0x67: {  	_ =	shalt  }
0x68: {  	_ =	shalt  }
0x69: {  	_ =	shalt  }
0x6a: {  	_ =	shalt  }
0x6b: {  	_ =	shalt  }
0x6c: {  	_ =	shalt  }
0x6d: {  	_ =	shalt  }
0x6e: {  	_ =	shalt  }
0x6f: {  	_ =	shalt  }
0x70: {  	_ =	shalt  }
0x71: {  	_ =	shalt  }
0x72: {  	_ =	shalt  }
0x73: {  	_ =	shalt  }
0x74: {  	_ =	shalt  }
0x75: {  	_ =	shalt  }
0x76: {  	_ =	shalt  }
0x77: {  	_ =	shalt  }
0x78: {  	_ =	shalt  }
0x79: {  	_ =	shalt  }
0x7a: {  	_ =	shalt  }
0x7b: {  	_ =	shalt  }
0x7c: {  	_ =	shalt  }
0x7d: {  	_ =	shalt  }
0x7e: {  	_ =	shalt  }
0x7f: {  	_ =	shalt  }
0x80: {  	_ =	shalt  }
0x81: {  	_ =	shalt  }
0x82: {  	_ =	shalt  }
0x83: {  	_ =	shalt  }
0x84: {  	_ =	shalt  }
0x85: {  	_ =	shalt  }
0x86: {  	_ =	shalt  }
0x87: {  	_ =	shalt  }
.Lfunc_end0:
.L_simem_size_0:
called_computation_lowered:
.L_overlay_start_0:
0x88: {  	s2 =	sld [smem:$0x3FD9]  }
0x89: {  	s3 =	sld [smem:$0x3FFE];
	_ =	sdelay $0x1  }
0x8a: {  	s1 =	srdreg.scid  }
0x8b: {  	s0 =	sand.u32 $0x1, s1  }
0x8c: {  	s17 =	sshll.u32 s0, $0xA;
	s2 =	sadd.s32 s3, s2  }
0x8d: {  	s2 =	sadd.s32 s2, s17  }
0x8e: {  	[smem:$0x3FBB] =	sst s2  }
0x8f: {  	_ = 	snop  }
0x90: {  	s2 =	sld [smem:$0x3FC8]  }
0x91: {  	s18 =	sld [smem:$0x3FC7]  }
0x92: {  	s4 =	sld [smem:$0x3FD0];
	(tm) =	ssettm $0x1  }
0x93: {  	s5 =	sld [smem:$0x3FFB];
	_ =	sdelay $0x3  }
0x94: {  	_ =	strace s5  }
0x95: {  	s5 =	sld [smem:$0x3FFC];
	_ =	sdelay $0x3  }
0x96: {  	_ =	strace s5  }
0x97: {  	s5 =	sld [smem:$0x3FFD];
	_ =	sdelay $0x3  }
0x98: {  	_ =	strace s5  }
0x99: {  	_ =	strace $0x8FFFFFFF  }
0x9a: {  	s19 =	sld [smem:$0x3FDB];
	_ =	sdelay $0x1  }
0x9b: {  	s6 =	simm.s32 $_scs_section_size  }
0x9c: {  	s7 =	simm.s32 $_size__tile_overlayer_lowered;
	s8 =	simm.s32 $_tile_overlayer_lowered  }
0x9d: {  	s22 =	simm.s32 $0x1BFF;
	s21 =	sshll.u32 s8, $0x1;
	s5 =	sadd.s32 s6, s19  }
0x9e: {  	s9 =	simm.s32 $0x0;
	s20 =	sshll.u32 s7, $0x1;
	s7 =	sadd.s32 s21, s5  }
0x9f: {  	[timem:s9], [sflag:s22] =	dma.local [hbm:s7], s20  }
0xa0: {  	_ =	swait.ge [sflag:s22], s20  }
0xa1: {  	s6 =	ssub.s32 $0x0, s20;
	[sflag:s22] =	ssyncset.done $0x0  }
0xa2: {  	[sflag:s22] =	ssyncadd.s32 s6;
	_ =	sdelay $0x1  }
0xa3: {  	s23 =	simm.s32 $0x1B8B  }
0xa4: {  	_ =	swait.ge [sflag:s23], $0x1  }
0xa5: {  	[sflag:s23] =	ssyncset.done $0x0  }
0xa6: {  	s25 =	simm.s32 $0x1B8E;
	s24 =	sld [smem:$0x3FFE];
	[sflag:s23] =	ssyncadd.s32 $0xFFFFFFFF  }
0xa7: {  	s26 =	simm.s32 $execute0_lowered;
	[smem:$0x3FD2] =	sst s25  }
0xa8: {  	s7 =	sshll.u32 s26, $0x1;
	_ =	strace $0x80000046;
	[dreg:$0x1] =	wrdreg $0xFFFFFFFF  }
0xa9: {  	s28 =	simm.s32 $_size_execute0_lowered;
	s5 =	sadd.s32 s5, s7;
	[dreg:$0x0] =	wrdreg $0x0  }
0xaa: {  	s7 =	sshll.u32 s28, $0x1;
	[dreg:$0x2] =	wrdreg s5  }
0xab: {  	[dreg:$0x3] =	wrdreg s7  }
0xac: {  	[dreg:$0x4] =	wrdreg $0xC0  }
0xad: {  	_ =	task [dreg:s9], $0x5FFFF  }
0xae: {  	[dreg:$0x1] =	wrdreg $0xFFFFFFFF  }
0xaf: {  	[dreg:$0x0] =	wrdreg $0x60  }
0xb0: {  	[dreg:$0x2] =	wrdreg s2  }
0xb1: {  	[dreg:$0x3] =	wrdreg s18  }
0xb2: {  	[dreg:$0x4] =	wrdreg s4  }
0xb3: {  	[dreg:$0x5] =	wrdreg s24  }
0xb4: {  	[dreg:$0x6] =	wrdreg $0xC1800  }
0xb5: {  	[dreg:$0x7] =	wrdreg $0x9  }
0xb6: {  	_ =	task.clear_ibuf [dreg:s9], $0x8FFFF;
	_ =	strace $0x90000046  }
0xb7: {  	s29 =	simm.s32 $0x9;
	_ =	strace $0x80000048  }
0xb8: {  	_ =	swait.ge [sflag:s29], $0x1  }
0xb9: {  	[sflag:s29] =	ssyncadd.s32 $0xFFFFFFFF  }
0xba: {  	_ =	strace $0x90000048  }
0xbb: {  	_ =	sfence  }
0xbc: {  	s30 =	sld [smem:$0x0];
	_ =	sdelay $0x2  }
0xbd: {  	s31 =	sshll.u32 s1, $0xD;
	s1 =	sshrl.u32 s1, $0x2  }
0xbe: {  	s3 =	sand.u32 $0x4000, s31;
	s1 =	sadd.s32 s1, s30  }
0xbf: {  	s0 =	sor.u32 s3, s0;
	s1 =	sshll.u32 s1, $0x11  }
0xc0: {  	s0 =	sor.u32 s1, s0  }
0xc1: {  	s0 =	sadd.s32 $0x8F2B, s0  }
0xc2: {  	[sflag:s0] =	ssyncadd.remote.s32 $0x1  }
0xc3: {  	_ =	sfence.sel $0xFFFF  }
0xc4: {  	[dreg:$0x0] =	wrdreg $0xFFFFFFFF;
	(pc) =	sbr.abs _section_cstart, $3  }
0xc5: {  	[dreg:$0x1] =	wrdreg $0xFFFFFFFF  }
0xc6: {  	_ =	task.clear_ibuf [dreg:s9], $0x2FFFF;
	_ =	strace $0x9FFFFFFF  }
0xc7: {  	(tm) =	ssettm $0x7FFFFFFF  }
tec
execute0_lowered:
.L_overlay_start_1:
0x0: {  	(tag) =	ssettag $0x1  }
0x1: {  	s0 =	rddreg [dreg:$0x0]  }
0x2: {  	s1 =	rddreg [dreg:$0x1]  }
0x3: {  	s2 =	rddreg [dreg:$0x3];
	s3 =	srdreg.scid  }
0x4: {  	s16 =	stileid.u32;
	s4 =	rddreg [dreg:$0x4];
	s28 =	simm.s32 $0xC000  }
0x5: {  	s29 =	simm.s32 $0x8000;
	s30 =	simm.s32 $0x7;
	s31 =	simm.s32 $0x4000  }
0x6: {  	s3 =	sand.u32 $0x1, s3;
	s5 =	sshll.u32 s16, $0x1;
	s2 =	sadd.s32 $0x1E00, s2  }
0x7: {  	s15 =	sshll.u32 s16, $0xE;
	s26 =	smul.u32 $0x4E000, s16;
	p0 =	sgt.u32 s16, $0xD  }
0x8: {  	p3 =	sgt.u32 s16, $0x1;
	s6 =	sor.u32 s3, s5;
	s5 =	simm.s32 $0x0  }
0x9: {  	s7 =	ssub.s32 $0x2, s3;
	s19 =	sor.u32 $0x40000, s15;
	s11 =	sor.u32 $0x80000, s15  }
0xa: {  	s12 =	smul.u32 $0x138800, s3;
	s13 =	sor.u32 $0xC0000, s15;
	p2 =	sne.s32 @p0 s16, $0xE  }
0xb: {  	s8 =	smul.u32 $0x27000, s6;
	[smem:$0x7FF] =	sst s5;
	s9 =	sshrl.u32 s7, $0x1  }
0xc: {  	s10 =	smul.u32 $0x9C0, s6;
	s17 =	sadd.s32 s19, s4;
	s18 =	sadd.s32 s11, s4  }
0xd: {  	s6 =	sshll.u32 s6, $0x7;
	p1 =	por p2, !p0;
	p2 =	por !p2, !p0  }
0xe: {  	_ =	strace $0x80000047;
	s7 =	ssub.s32 s7, s9;
	s6 =	sor.u32 $0x4E000, s6  }
0xf: {  	s9 =	sadd.s32 s12, s19;
	s11 =	sadd.s32 s12, s11;
	s20 =	sadd.s32 s12, s13  }
0x10: {  	s25 =	sshrl.u32 s12, $0x3;
	s19 =	sadd.s32 s13, s4;
	s13 =	simm.s32 $0x5  }
0x11: {  	s8 =	sadd.s32 s1, s8;
	s14 =	sadd.s32 s0, s10;
	s10 =	sadd.s32 s15, s4  }
0x12: {  	s9 =	sshrl.u32 s9, $0x3;
	s21 =	sshrl.u32 s11, $0x3;
	[dreg:$0xe] =	wrdreg s19  }
0x13: {  	s22 =	sshrl.u32 s20, $0x3;
	s11 =	simm.s32 $0x4;
	[dreg:$0x6] =	wrdreg s8  }
0x14: {  	[dreg:$0x7] =	wrdreg s14;
	s14 =	sadd.s32 s15, s12;
	s8 =	sor.u32 $0x100000, s15  }
0x15: {  	s15 =	sshll.u32 s6, $0x4;
	s9 =	sadd.s32 s2, s9;
	s23 =	sadd.s32 s2, s22  }
0x16: {  	s6 =	sshrl.u32 s6, $0x2;
	s14 =	sshrl.u32 s14, $0x3;
	[dreg:$0x9] =	wrdreg s9  }
0x17: {  	s9 =	sadd.s32 s2, s21;
	[dreg:$0xb] =	wrdreg s23;
	s24 =	sadd.s32 s12, s8  }
0x18: {  	s20 =	sadd.s32 s1, s15;
	s1 =	sadd.s32 s26, s1;
	[dreg:$0xa] =	wrdreg s9  }
0x19: {  	s21 =	smul.u32 $0x4E00, s16;
	s6 =	sadd.s32 s0, s6;
	[dreg:$0xd] =	wrdreg s20  }
0x1a: {  	s23 =	smax.u32 s7, $0x1;
	s7 =	simm.s32 $0x2;
	[dreg:$0xf] =	wrdreg s6  }
0x1b: {  	s12 =	simm.s32 $0x3;
	s14 =	sadd.s32 s2, s14;
	[dreg:$0x11] =	wrdreg s23  }
0x1c: {  	s15 =	simm.s32 $0x0;
	s9 =	sshrl.u32 s24, $0x3;
	[dreg:$0x8] =	wrdreg s14  }
0x1d: {  	s9 =	sadd.s32 s2, s9;
	s2 =	sadd.s32 s2, s25;
	s14 =	smul.u32 $0x27000, s3  }
0x1e: {  	s3 =	smul.u32 $0x2700, s3;
	[dreg:$0xc] =	wrdreg s9;
	s2 =	sadd.s32 $0x27000, s2  }
0x1f: {  	s20 =	sadd.s32 s8, s4;
	s6 =	simm.s32 $0xC100;
	[dreg:$0x10] =	wrdreg s2  }
0x20: {  	s22 =	sadd.s32 s14, s1;
	s24 =	sadd.s32 s3, s21;
	s21 =	sadd.s32 $0x138000, s4  }
0x21: {  	s3 =	simm.s32 $0xC080;
	s25 =	sadd.s32 $0x180, s24;
	s26 =	sadd.s32 $0x100, s24  }
0x22: {  	s1 =	sor.u32 $0x80, s24;
	[dreg:$0x15] =	wrdreg s21;
	s2 =	sshrl.u32 s26, $0x2  }
0x23: {  	[dreg:$0x12] =	wrdreg s25;
	s1 =	sshrl.u32 s1, $0x2;
	s2 =	sadd.s32 s2, s0  }
0x24: {  	s14 =	simm.s32 $0x6;
	s1 =	sadd.s32 s1, s0;
	[dreg:$0x13] =	wrdreg s2  }
0x25: {  	[dreg:$0x14] =	wrdreg s1;
	s1 =	simm.s32 $0x1;
	s2 =	simm.s32 $0x80  }
.LBB2_1:
0x26: {  	s8 =	rddreg [dreg:$0x6]  }
0x27: {  	[tilespmem:s5], [sflag:$0x1] =	stream.linear.gather [hbm4b:s8+s5], $0x4000, $0x38;
	[tilespmem:$0x1FA00] =	vst v63  }
0x28: {  	s9 =	rddreg [dreg:$0x7]  }
0x29: {  	[tilespmem:s28], [sflag:$0x1] =	stream.linear.gather [hbm4b:s9+s5], $0x80, $0x38;
	[tilespmem:$0x1FA00] =	vst v63  }
0x2a: {  	s16 =	rddreg [dreg:$0x2]  }
0x2b: {  	[tilespmem:s29], [sflag:$0x7] =	stream.linear.gather [hbm4b:s16+s5], $0x4000, $0x38;
	[tilespmem:$0x1FA00] =	vst v63  }
0x2c: {  	_ =	swait.ge [sflag:s30], $0x4000  }
0x2d: {  	[sflag:s30] =	ssyncset.done $0x0  }
0x2e: {  	[sflag:s30] =	ssyncadd.s32 $0xFFFFC000  }
0x2f: {  	[spmem:s10] =	stream.linear.scatter [tilespmem:s29], [sflag:$0x7], $0x4000, $0x38;
	[tilespmem:$0x1FA00] =	vst v63  }
0x30: {  	_ =	swait.ge [sflag:s30], $0x4000  }
0x31: {  	[sflag:s30] =	ssyncset.done $0x0  }
0x32: {  	[sflag:s30] =	ssyncadd.s32 $0xFFFFC000  }
0x33: {  	[spmem:s17] =	stream.linear.scatter [tilespmem:s29], [sflag:$0x7], $0x4000, $0x38;
	[tilespmem:$0x1FA00] =	vst v63  }
0x34: {  	_ =	swait.ge [sflag:s30], $0x4000  }
0x35: {  	[sflag:s30] =	ssyncset.done $0x0  }
0x36: {  	[sflag:s30] =	ssyncadd.s32 $0xFFFFC000  }
0x37: {  	[spmem:s18] =	stream.linear.scatter [tilespmem:s29], [sflag:$0x7], $0x4000, $0x38;
	[tilespmem:$0x1FA00] =	vst v63  }
0x38: {  	_ =	swait.ge [sflag:s30], $0x4000  }
0x39: {  	[sflag:s30] =	ssyncset.done $0x0  }
0x3a: {  	[sflag:s30] =	ssyncadd.s32 $0xFFFFC000  }
0x3b: {  	[spmem:s19] =	stream.linear.scatter [tilespmem:s29], [sflag:$0x7], $0x4000, $0x38;
	[tilespmem:$0x1FA00] =	vst v63  }
0x3c: {  	_ =	swait.ge [sflag:s30], $0x4000  }
0x3d: {  	[sflag:s30] =	ssyncset.done $0x0  }
0x3e: {  	s8 =	simm.s32 @!p1 $0x8000;
	[sflag:s30] =	ssyncadd.s32 $0xFFFFC000  }
0x3f: {  	[spmem:s21] =	stream.linear.scatter @!p1 [tilespmem:s8], [sflag:$0x7], $0x800, $0x38;
	[tilespmem:$0x1FA00] =	vst v63  }
0x40: {  	s8 =	simm.s32 @!p1 $0x7  }
0x41: {  	_ =	swait.ge @!p1 [sflag:s8], $0x800  }
0x42: {  	[sflag:s8] =	ssyncset.done @!p1 $0x0  }
0x43: {  	[sflag:s8] =	ssyncadd.s32 @!p1 $0xFFFFF800;
	s8 =	simm.s32 @!p0 $0x8000  }
0x44: {  	[spmem:s20] =	stream.linear.scatter @!p0 [tilespmem:s8], [sflag:$0x7], $0x4000, $0x38;
	[tilespmem:$0x1FA00] =	vst v63  }
0x45: {  	s8 =	simm.s32 @!p0 $0x7  }
0x46: {  	_ =	swait.ge @!p0 [sflag:s8], $0x4000  }
0x47: {  	[sflag:s8] =	ssyncset.done @!p0 $0x0  }
0x48: {  	p4 =	por $0x1, $0x1;
	[sflag:s8] =	ssyncadd.s32 @!p0 $0xFFFFC000  }
0x49: {  	s8 =	simm.s32 @!p4 $0x5;
	[bflag:$0x0] =	sbarrier.arrive $0xFFFF  }
0x4a: {  	_ =	swait.ge @!p4 [sflag:s8], $0x4000  }
0x4b: {  	s9 =	sadd.s32 $0x0, s22;
	[sflag:s8] =	ssyncset.done @!p4 $0x0  }
0x4c: {  	s19 =	sadd.s32 $0x800, s9;
	[sflag:s8] =	ssyncadd.s32 @!p4 $0xFFFFC000  }
0x4d: {  	[tilespmem:s31], [sflag:$0x2] =	stream.linear.gather [hbm4b:s19+s5], $0x4000, $0x38;
	[tilespmem:$0x1FA00] =	vst v63  }
0x4e: {  	s25 =	smov.u32 s18;
	s18 =	rddreg [dreg:$0x14]  }
0x4f: {  	[tilespmem:s3], [sflag:$0x2] =	stream.linear.gather [hbm4b:s18+s5], $0x80, $0x38;
	[tilespmem:$0x1FA00] =	vst v63  }
0x50: {  	_ =	swait.ge [sflag:s1], $0x4000  }
0x51: {  	[sflag:s1] =	ssyncset.done $0x0  }
0x52: {  	[sflag:s1] =	ssyncadd.s32 $0xFFFFC000  }
0x53: {  	_ =	swait.ge [sflag:s1], $0x80  }
0x54: {  	[sflag:s1] =	ssyncset.done $0x0  }
0x55: {  	s8 =	simm.s32 @!p4 $0x6;
	[sflag:s1] =	ssyncadd.s32 $0xFFFFFF80  }
0x56: {  	[spmem:s4] =	stream.indirect.scatter.add.f32 [tilespmem:s5], [sflag:$0x4], $0x80, s28, s2, $0xb8;
	[tilespmem:$0x1FA00] =	vst v63  }
0x57: {  	_ =	swait.ge @!p4 [sflag:s8], $0x4000  }
0x58: {  	[sflag:s8] =	ssyncset.done @!p4 $0x0  }
0x59: {  	s26 =	smov.u32 s20;
	s20 =	sadd.s32 $0x1000, s9;
	[sflag:s8] =	ssyncadd.s32 @!p4 $0xFFFFC000  }
0x5a: {  	[tilespmem:s29], [sflag:$0x3] =	stream.linear.gather [hbm4b:s20+s5], $0x4000, $0x38;
	[tilespmem:$0x1FA00] =	vst v63  }
0x5b: {  	s21 =	rddreg [dreg:$0x13]  }
0x5c: {  	[tilespmem:s6], [sflag:$0x3] =	stream.linear.gather [hbm4b:s21+s5], $0x80, $0x38;
	[tilespmem:$0x1FA00] =	vst v63  }
0x5d: {  	_ =	swait.ge [sflag:s7], $0x4000  }
0x5e: {  	[sflag:s7] =	ssyncset.done $0x0  }
0x5f: {  	[sflag:s7] =	ssyncadd.s32 $0xFFFFC000  }
0x60: {  	_ =	swait.ge [sflag:s7], $0x80  }
0x61: {  	[sflag:s7] =	ssyncset.done $0x0  }
0x62: {  	s23 =	smov.u32 s10;
	p4 =	por $0x0, $0x0;
	[sflag:s7] =	ssyncadd.s32 $0xFFFFFF80  }
0x63: {  	[spmem:s4] =	stream.indirect.scatter.add.f32 [tilespmem:s31], [sflag:$0x5], $0x80, s3, s2, $0xb8;
	[tilespmem:$0x1FA00] =	vst v63  }
0x64: {  	s24 =	smov.u32 s17;
	s8 =	sadd.s32 @!p4 $0x0, s22;
	_ =	swait.ge [sflag:s11], $0x4000  }
0x65: {  	s16 =	simm.s32 @!p4 $0x0;
	[sflag:s11] =	ssyncset.done $0x0;
	s10 =	rddreg [dreg:$0x12]  }
0x66: {  	s8 =	sadd.s32 @!p4 $0x1800, s8;
	s9 =	sshrl.u32 @!p4 s10, $0x2;
	[sflag:s11] =	ssyncadd.s32 $0xFFFFC000  }
0x67: {  	[tilespmem:s16], [sflag:$0x1] =	stream.linear.gather @!p4 [hbm4b:s8+s16], $0x4000, $0x38;
	[tilespmem:$0x1FA00] =	vst v63  }
0x68: {  	p5 =	por @p0 $0x0, $0x0;
	s8 =	sadd.s32 @!p4 s0, s9;
	s9 =	simm.s32 @!p4 $0xC000  }
0x69: {  	[tilespmem:s9], [sflag:$0x1] =	stream.linear.gather @!p4 [hbm4b:s8+s16], $0x80, $0x38;
	[tilespmem:$0x1FA00] =	vst v63  }
0x6a: {  	p6 =	por $0x0, $0x0;
	s19 =	simm.s32 $0x1800;
	_ =	swait.ge [sflag:s12], $0x4000  }
0x6b: {  	s20 =	sadd.s32 $0x60, s21;
	s21 =	sadd.s32 $0x60, s18;
	[sflag:s12] =	ssyncset.done $0x0  }
0x6c: {  	p4 =	por @!p1 $0x1, $0x1;
	s8 =	simm.s32 $0x3000;
	[sflag:s12] =	ssyncadd.s32 $0xFFFFC000  }
0x6d: {  	p4 =	por @!p2 p5, p5;
	p5 =	por @!p0 $0x0, $0x0;
	_ =	swait.ge [sflag:s12], $0x80  }
0x6e: {  	s16 =	sadd.s32 $0x180, s10;
	p4 =	por @!p0 p5, p5;
	[sflag:s12] =	ssyncset.done $0x0  }
.LBB2_2:
0x6f: {  	s10 =	simm.s32 @!p6 $0x5  }
0x70: {  	[sflag:s12] =	ssyncadd.s32 $0xFFFFFF80;
	s9 =	smov.u32 s8;
	s8 =	sadd.s32 $0x1800, s8  }
0x71: {  	[spmem:s4] =	stream.indirect.scatter.add.f32 [tilespmem:s29], [sflag:$0x6], $0x80, s6, s2, $0xb8;
	[tilespmem:$0x1FA00] =	vst v63  }
0x72: {  	p5 =	sne.s32 s8, $0x27000;
	_ =	swait.ge @!p6 [sflag:s10], $0x4000  }
0x73: {  	s17 =	sadd.s32 s19, s22;
	[sflag:s10] =	ssyncset.done @!p6 $0x0  }
0x74: {  	[sflag:s10] =	ssyncadd.s32 @!p6 $0xFFFFC000;
	s10 =	sadd.s32 $0x800, s17  }
0x75: {  	[tilespmem:s31], [sflag:$0x2] =	stream.linear.gather [hbm4b:s10+s5], $0x4000, $0x38;
	[tilespmem:$0x1FA00] =	vst v63  }
0x76: {  	_ = 	snop  }
0x77: {  	[tilespmem:s3], [sflag:$0x2] =	stream.linear.gather [hbm4b:s21+s5], $0x80, $0x38;
	[tilespmem:$0x1FA00] =	vst v63  }
0x78: {  	_ =	swait.ge [sflag:s1], $0x4000  }
0x79: {  	[sflag:s1] =	ssyncset.done $0x0  }
0x7a: {  	[sflag:s1] =	ssyncadd.s32 $0xFFFFC000  }
0x7b: {  	_ =	swait.ge [sflag:s1], $0x80  }
0x7c: {  	[sflag:s1] =	ssyncset.done $0x0  }
0x7d: {  	s10 =	simm.s32 @!p6 $0x6;
	[sflag:s1] =	ssyncadd.s32 $0xFFFFFF80  }
0x7e: {  	[spmem:s4] =	stream.indirect.scatter.add.f32 [tilespmem:s5], [sflag:$0x4], $0x80, s28, s2, $0xb8;
	[tilespmem:$0x1FA00] =	vst v63  }
0x7f: {  	_ =	swait.ge @!p6 [sflag:s10], $0x4000  }
0x80: {  	[sflag:s10] =	ssyncset.done @!p6 $0x0  }
0x81: {  	[sflag:s10] =	ssyncadd.s32 @!p6 $0xFFFFC000;
	s10 =	sadd.s32 $0x1000, s17  }
0x82: {  	[tilespmem:s29], [sflag:$0x3] =	stream.linear.gather [hbm4b:s10+s5], $0x4000, $0x38;
	[tilespmem:$0x1FA00] =	vst v63  }
0x83: {  	_ = 	snop  }
0x84: {  	[tilespmem:s6], [sflag:$0x3] =	stream.linear.gather [hbm4b:s20+s5], $0x80, $0x38;
	[tilespmem:$0x1FA00] =	vst v63  }
0x85: {  	_ =	swait.ge [sflag:s7], $0x4000  }
0x86: {  	[sflag:s7] =	ssyncset.done $0x0  }
0x87: {  	[sflag:s7] =	ssyncadd.s32 $0xFFFFC000  }
0x88: {  	_ =	swait.ge [sflag:s7], $0x80  }
0x89: {  	[sflag:s7] =	ssyncset.done $0x0  }
0x8a: {  	[sflag:s7] =	ssyncadd.s32 $0xFFFFFF80  }
0x8b: {  	[spmem:s4] =	stream.indirect.scatter.add.f32 [tilespmem:s31], [sflag:$0x5], $0x80, s3, s2, $0xb8;
	[tilespmem:$0x1FA00] =	vst v63  }
0x8c: {  	p6 =	seq.s32 s19, $0x25800;
	_ =	swait.ge [sflag:s11], $0x4000  }
0x8d: {  	s10 =	sadd.s32 @!p6 s19, s22;
	s17 =	sshrl.u32 @!p6 s16, $0x2;
	[sflag:s11] =	ssyncset.done $0x0  }
0x8e: {  	s18 =	simm.s32 @!p6 $0x0;
	s10 =	sadd.s32 @!p6 $0x1800, s10;
	[sflag:s11] =	ssyncadd.s32 $0xFFFFC000  }
0x8f: {  	[tilespmem:s18], [sflag:$0x1] =	stream.linear.gather @!p6 [hbm4b:s10+s18], $0x4000, $0x38;
	[tilespmem:$0x1FA00] =	vst v63  }
0x90: {  	s19 =	smov.u32 s9;
	s10 =	sadd.s32 @!p6 s0, s17;
	s17 =	simm.s32 @!p6 $0xC000  }
0x91: {  	[tilespmem:s17], [sflag:$0x1] =	stream.linear.gather @!p6 [hbm4b:s10+s18], $0x80, $0x38;
	[tilespmem:$0x1FA00] =	vst v63  }
.Ltmp0:
0x92: {  	_ =	swait.ge [sflag:s12], $0x4000;
	(pc) =	sbr.rel @p5 .LBB2_2-.Ltmp0, $4  }
0x93: {  	[sflag:s12] =	ssyncset.done $0x0  }
0x94: {  	[sflag:s12] =	ssyncadd.s32 $0xFFFFC000  }
0x95: {  	s21 =	sadd.s32 $0x60, s21;
	s20 =	sadd.s32 $0x60, s20;
	_ =	swait.ge [sflag:s12], $0x80  }
0x96: {  	s16 =	sadd.s32 $0x180, s16;
	p6 =	seq.s32 s19, $0x0;
	[sflag:s12] =	ssyncset.done $0x0  }
0x97: {  	s8 =	simm.s32 @!p6 $0x5;
	[sflag:s12] =	ssyncadd.s32 $0xFFFFFF80  }
0x98: {  	[spmem:s4] =	stream.indirect.scatter.add.f32 [tilespmem:s29], [sflag:$0x6], $0x80, s6, s2, $0xb8;
	[tilespmem:$0x1FA00] =	vst v63  }
0x99: {  	_ =	swait.ge @!p6 [sflag:s8], $0x4000  }
0x9a: {  	s9 =	sadd.s32 s19, s22;
	[sflag:s8] =	ssyncset.done @!p6 $0x0  }
0x9b: {  	s17 =	sadd.s32 $0x800, s9;
	[sflag:s8] =	ssyncadd.s32 @!p6 $0xFFFFC000  }
0x9c: {  	[tilespmem:s31], [sflag:$0x2] =	stream.linear.gather [hbm4b:s17+s5], $0x4000, $0x38;
	[tilespmem:$0x1FA00] =	vst v63  }
0x9d: {  	_ = 	snop  }
0x9e: {  	[tilespmem:s3], [sflag:$0x2] =	stream.linear.gather [hbm4b:s21+s5], $0x80, $0x38;
	[tilespmem:$0x1FA00] =	vst v63  }
0x9f: {  	_ =	swait.ge [sflag:s1], $0x4000  }
0xa0: {  	[sflag:s1] =	ssyncset.done $0x0  }
0xa1: {  	[sflag:s1] =	ssyncadd.s32 $0xFFFFC000  }
0xa2: {  	_ =	swait.ge [sflag:s1], $0x80  }
0xa3: {  	[sflag:s1] =	ssyncset.done $0x0  }
0xa4: {  	s8 =	simm.s32 @!p6 $0x6;
	[sflag:s1] =	ssyncadd.s32 $0xFFFFFF80  }
0xa5: {  	[spmem:s4] =	stream.indirect.scatter.add.f32 [tilespmem:s5], [sflag:$0x4], $0x80, s28, s2, $0xb8;
	[tilespmem:$0x1FA00] =	vst v63  }
0xa6: {  	_ =	swait.ge @!p6 [sflag:s8], $0x4000  }
0xa7: {  	[sflag:s8] =	ssyncset.done @!p6 $0x0  }
0xa8: {  	s18 =	sadd.s32 $0x1000, s9;
	[sflag:s8] =	ssyncadd.s32 @!p6 $0xFFFFC000  }
0xa9: {  	[tilespmem:s29], [sflag:$0x3] =	stream.linear.gather [hbm4b:s18+s5], $0x4000, $0x38;
	[tilespmem:$0x1FA00] =	vst v63  }
0xaa: {  	_ = 	snop  }
0xab: {  	[tilespmem:s6], [sflag:$0x3] =	stream.linear.gather [hbm4b:s20+s5], $0x80, $0x38;
	[tilespmem:$0x1FA00] =	vst v63  }
0xac: {  	_ =	swait.ge [sflag:s7], $0x4000  }
0xad: {  	[sflag:s7] =	ssyncset.done $0x0  }
0xae: {  	[sflag:s7] =	ssyncadd.s32 $0xFFFFC000  }
0xaf: {  	_ =	swait.ge [sflag:s7], $0x80  }
0xb0: {  	[sflag:s7] =	ssyncset.done $0x0  }
0xb1: {  	[sflag:s7] =	ssyncadd.s32 $0xFFFFFF80  }
0xb2: {  	[spmem:s4] =	stream.indirect.scatter.add.f32 [tilespmem:s31], [sflag:$0x5], $0x80, s3, s2, $0xb8;
	[tilespmem:$0x1FA00] =	vst v63  }
0xb3: {  	p5 =	seq.s32 s19, $0x25800;
	_ =	swait.ge [sflag:s11], $0x4000  }
0xb4: {  	s9 =	sshrl.u32 @!p5 s16, $0x2;
	s8 =	sadd.s32 @!p5 s19, s22;
	[sflag:s11] =	ssyncset.done $0x0  }
0xb5: {  	s10 =	simm.s32 @!p5 $0x0;
	s8 =	sadd.s32 @!p5 $0x1800, s8;
	[sflag:s11] =	ssyncadd.s32 $0xFFFFC000  }
0xb6: {  	[tilespmem:s10], [sflag:$0x1] =	stream.linear.gather @!p5 [hbm4b:s8+s10], $0x4000, $0x38;
	[tilespmem:$0x1FA00] =	vst v63  }
0xb7: {  	s8 =	sadd.s32 @!p5 s0, s9;
	s9 =	simm.s32 @!p5 $0xC000  }
0xb8: {  	[tilespmem:s9], [sflag:$0x1] =	stream.linear.gather @!p5 [hbm4b:s8+s10], $0x80, $0x38;
	[tilespmem:$0x1FA00] =	vst v63  }
0xb9: {  	_ =	swait.ge [sflag:s12], $0x4000  }
0xba: {  	[sflag:s12] =	ssyncset.done $0x0  }
0xbb: {  	[sflag:s12] =	ssyncadd.s32 $0xFFFFC000  }
0xbc: {  	_ =	swait.ge [sflag:s12], $0x80  }
0xbd: {  	[sflag:s12] =	ssyncset.done $0x0  }
0xbe: {  	[sflag:s12] =	ssyncadd.s32 $0xFFFFFF80  }
0xbf: {  	[spmem:s4] =	stream.indirect.scatter.add.f32 [tilespmem:s29], [sflag:$0x6], $0x80, s6, s2, $0xb8;
	[tilespmem:$0x1FA00] =	vst v63  }
0xc0: {  	_ =	swait.ge [sflag:s13], $0x4000  }
0xc1: {  	[sflag:s13] =	ssyncset.done $0x0  }
0xc2: {  	[sflag:s13] =	ssyncadd.s32 $0xFFFFC000  }
0xc3: {  	_ =	swait.ge [sflag:s14], $0x4000  }
0xc4: {  	[sflag:s14] =	ssyncset.done $0x0  }
0xc5: {  	s8 =	simm.s32 @!p3 $0x0;
	s9 =	rddreg [dreg:$0xd];
	[sflag:s14] =	ssyncadd.s32 $0xFFFFC000  }
0xc6: {  	[tilespmem:s8], [sflag:$0x7] =	stream.linear.gather @!p3 [hbm4b:s9+s8], $0x4000, $0x38;
	[tilespmem:$0x1FA00] =	vst v63  }
0xc7: {  	s9 =	simm.s32 @!p3 $0x7  }
0xc8: {  	_ =	swait.ge @!p3 [sflag:s9], $0x4000  }
0xc9: {  	[sflag:s9] =	ssyncset.done @!p3 $0x0  }
0xca: {  	s10 =	simm.s32 @!p3 $0xC000;
	s16 =	rddreg [dreg:$0xf];
	[sflag:s9] =	ssyncadd.s32 @!p3 $0xFFFFC000  }
0xcb: {  	[tilespmem:s10], [sflag:$0x7] =	stream.linear.gather @!p3 [hbm4b:s16+s8], $0x80, $0x38;
	[tilespmem:$0x1FA00] =	vst v63  }
0xcc: {  	_ =	swait.ge @!p3 [sflag:s9], $0x80  }
0xcd: {  	[sflag:s9] =	ssyncset.done @!p3 $0x0  }
0xce: {  	s16 =	simm.s32 @!p3 $0x80;
	[sflag:s9] =	ssyncadd.s32 @!p3 $0xFFFFFF80  }
0xcf: {  	[spmem:s4] =	stream.indirect.scatter.add.f32 @!p3 [tilespmem:s8], [sflag:$0x7], $0x80, s10, s16, $0xb8;
	[tilespmem:$0x1FA00] =	vst v63  }
0xd0: {  	_ =	swait.ge @!p3 [sflag:s9], $0x4000  }
0xd1: {  	[sflag:s9] =	ssyncset.done @!p3 $0x0  }
0xd2: {  	[sflag:s9] =	ssyncadd.s32 @!p3 $0xFFFFC000  }
0xd3: {  	[bflag:$0x0] =	sbarrier.arrive $0xFFFF  }
0xd4: {  	[tilespmem:s5], [sflag:$0x7] =	stream.linear.gather [spmem:s23], $0x4000, $0x38;
	[tilespmem:$0x1FA00] =	vst v63  }
0xd5: {  	_ =	swait.ge [sflag:s30], $0x4000  }
0xd6: {  	[sflag:s30] =	ssyncset.done $0x0  }
0xd7: {  	s21 =	rddreg [dreg:$0x8];
	[sflag:s30] =	ssyncadd.s32 $0xFFFFC000  }
0xd8: {  	[hbm4b:s21+s5] =	stream.linear.scatter [tilespmem:s5], [sflag:$0x4], $0x4000, $0x38;
	[tilespmem:$0x1FA00] =	vst v63  }
0xd9: {  	_ = 	snop  }
0xda: {  	[tilespmem:s31], [sflag:$0x7] =	stream.linear.gather [spmem:s24], $0x4000, $0x38;
	[tilespmem:$0x1FA00] =	vst v63  }
0xdb: {  	_ =	swait.ge [sflag:s30], $0x4000  }
0xdc: {  	[sflag:s30] =	ssyncset.done $0x0  }
0xdd: {  	s10 =	smov.u32 s23;
	s23 =	rddreg [dreg:$0x9];
	[sflag:s30] =	ssyncadd.s32 $0xFFFFC000  }
0xde: {  	[hbm4b:s23+s5] =	stream.linear.scatter [tilespmem:s31], [sflag:$0x5], $0x4000, $0x38;
	[tilespmem:$0x1FA00] =	vst v63  }
0xdf: {  	_ = 	snop  }
0xe0: {  	[tilespmem:s29], [sflag:$0x7] =	stream.linear.gather [spmem:s25], $0x4000, $0x38;
	[tilespmem:$0x1FA00] =	vst v63  }
0xe1: {  	_ =	swait.ge [sflag:s30], $0x4000  }
0xe2: {  	[sflag:s30] =	ssyncset.done $0x0  }
0xe3: {  	s17 =	smov.u32 s24;
	s24 =	rddreg [dreg:$0xa];
	[sflag:s30] =	ssyncadd.s32 $0xFFFFC000  }
0xe4: {  	[hbm4b:s24+s5] =	stream.linear.scatter [tilespmem:s29], [sflag:$0x6], $0x4000, $0x38;
	[tilespmem:$0x1FA00] =	vst v63  }
0xe5: {  	_ =	swait.ge [sflag:s11], $0x4000  }
0xe6: {  	[sflag:s11] =	ssyncset.done $0x0  }
0xe7: {  	s19 =	rddreg [dreg:$0xe];
	[sflag:s11] =	ssyncadd.s32 $0xFFFFC000  }
0xe8: {  	[tilespmem:s5], [sflag:$0x7] =	stream.linear.gather [spmem:s19], $0x4000, $0x38;
	[tilespmem:$0x1FA00] =	vst v63  }
0xe9: {  	_ =	swait.ge [sflag:s30], $0x4000  }
0xea: {  	[sflag:s30] =	ssyncset.done $0x0  }
0xeb: {  	s18 =	smov.u32 s25;
	s25 =	rddreg [dreg:$0xb];
	[sflag:s30] =	ssyncadd.s32 $0xFFFFC000  }
0xec: {  	[hbm4b:s25+s5] =	stream.linear.scatter [tilespmem:s5], [sflag:$0x4], $0x4000, $0x38;
	[tilespmem:$0x1FA00] =	vst v63  }
0xed: {  	_ =	swait.ge [sflag:s13], $0x4000  }
0xee: {  	[sflag:s13] =	ssyncset.done $0x0  }
0xef: {  	s8 =	simm.s32 @!p0 $0x4000;
	s9 =	simm.s32 @!p0 $0x7;
	[sflag:s13] =	ssyncadd.s32 $0xFFFFC000  }
0xf0: {  	[tilespmem:s8], [sflag:$0x7] =	stream.linear.gather @!p0 [spmem:s26], $0x4000, $0x38;
	[tilespmem:$0x1FA00] =	vst v63  }
0xf1: {  	_ =	swait.ge @!p0 [sflag:s9], $0x4000  }
0xf2: {  	[sflag:s9] =	ssyncset.done @!p0 $0x0  }
0xf3: {  	s16 =	rddreg [dreg:$0xc];
	[sflag:s9] =	ssyncadd.s32 @!p0 $0xFFFFC000;
	s9 =	simm.s32 @!p0 $0x0  }
0xf4: {  	[hbm4b:s16+s9] =	stream.linear.scatter @!p0 [tilespmem:s8], [sflag:$0x5], $0x4000, $0x38;
	[tilespmem:$0x1FA00] =	vst v63  }
0xf5: {  	s21 =	rddreg [dreg:$0x15];
	s8 =	simm.s32 @p4 $0x4000;
	s9 =	simm.s32 @p4 $0x7  }
0xf6: {  	[tilespmem:s8], [sflag:$0x7] =	stream.linear.gather @p4 [spmem:s21], $0x800, $0x38;
	[tilespmem:$0x1FA00] =	vst v63  }
0xf7: {  	_ =	swait.ge @p4 [sflag:s9], $0x800  }
0xf8: {  	[sflag:s9] =	ssyncset.done @p4 $0x0  }
0xf9: {  	s16 =	rddreg [dreg:$0x10];
	[sflag:s9] =	ssyncadd.s32 @p4 $0xFFFFF800;
	s9 =	simm.s32 @p4 $0x0  }
0xfa: {  	[hbm4b:s16+s9] =	stream.linear.scatter @p4 [tilespmem:s8], [sflag:$0x5], $0x800, $0x38;
	[tilespmem:$0x1FA00] =	vst v63  }
0xfb: {  	_ =	swait.ge [sflag:s14], $0x4000  }
0xfc: {  	[sflag:s14] =	ssyncset.done $0x0  }
0xfd: {  	[sflag:s14] =	ssyncadd.s32 $0xFFFFC000  }
0xfe: {  	_ =	swait.ge [sflag:s11], $0x4000  }
0xff: {  	[sflag:s11] =	ssyncset.done $0x0  }
0x100: {  	s8 =	simm.s32 @!p0 $0x5;
	[sflag:s11] =	ssyncadd.s32 $0xFFFFC000  }
0x101: {  	_ =	swait.ge @!p0 [sflag:s8], $0x4000  }
0x102: {  	[sflag:s8] =	ssyncset.done @!p0 $0x0  }
0x103: {  	[sflag:s8] =	ssyncadd.s32 @!p0 $0xFFFFC000;
	s8 =	simm.s32 @p4 $0x5  }
0x104: {  	_ =	swait.ge @p4 [sflag:s8], $0x800  }
0x105: {  	s15 =	sadd.s32 $0x1, s15;
	s20 =	smov.u32 s26;
	s26 =	rddreg [dreg:$0x11]  }
0x106: {  	p5 =	sne.s32 s15, s26  }
.Ltmp1:
0x107: {  	_ = 	snop;
	(pc) =	sbr.rel @p5 .LBB2_1-.Ltmp1, $3  }
0x108: {  	_ =	sdelay $0x1  }
0x109: {  	[sflag:s8] =	ssyncset.done @p4 $0x0  }
0x10a: {  	[sflag:s8] =	ssyncadd.s32 @p4 $0xFFFFF800  }
0x10b: {  	_ =	sfence.sel $0x180000  }
0x10c: {  	[bflag:$0x0] =	sbarrier.arrive $0xFFFF  }
0x10d: {  	_ =	strace $0x90000047  }
0x10e: {  	s0 =	stileid.u32;
	[bflag:$0x2] =	sbarrier.arrive $0xFFFF  }
0x10f: {  	p0 =	sne.s32 s0, $0x0;
	s0 =	rddreg [dreg:$0x5]  }
0x110: {  	s0 =	sadd.s32 @!p0 $0x100000, s0  }
0x111: {  	[sflag:s0] =	ssyncadd.tile.s32 @!p0 $0x1;
	_ =	shalt  }
.Lfunc_end2:
_tile_overlayer_lowered:
.L_overlay_start_2:
0x112: {  	(tag) =	ssettag $0x2  }
0x113: {  	s0 =	rddreg [dreg:$0x0];
	s2 =	stileid.u32  }
0x114: {  	s1 =	rddreg [dreg:$0x1];
	p0 =	sne.s32 s2, $0x0  }
0x115: {  	s3 =	rddreg [dreg:$0x2];
	[bflag:$0x3] =	sbarrier.arrive $0xFFFF;
	s2 =	simm.s32 @!p0 $0x1C07  }
0x116: {  	[timem:s3], [sflag:s2] =	dma.local @!p0 [hbm:s0], s1  }
0x117: {  	s0 =	simm.s32 @!p0 $0x7  }
0x118: {  	_ =	swait.ge @!p0 [sflag:s0], s1  }
0x119: {  	s1 =	ssub.s32 @!p0 $0x0, s1;
	[sflag:s0] =	ssyncset.done @!p0 $0x0  }
0x11a: {  	[sflag:s0] =	ssyncadd.s32 @!p0 s1  }
0x11b: {  	[bflag:$0x3] =	sbarrier.arrive $0xFFFF  }
0x11c: {  	_ =	shalt  }

</sc_bundles>
